<compile_context>
chip_gen: v7x
topology: tpu7x:2x2x1
jax: 0.10.2.dev20260603
libtpu: 0.0.44.dev20260713+nightly
codegen_flags: <defaults>
</compile_context>

<pallas_src>
import functools

import jax
import jax.numpy as jnp
from jax import lax
from jax.experimental import pallas as pl
from jax.experimental.pallas import tpu as pltpu
from jax.experimental.pallas import tpu_sc as plsc

N_HID = 62
MAX_LEN = 3000
N_ROWS = 4096
D_PAD = 128

_W_HMS = (3600.0 / 3661.0, 60.0 / 3661.0, 1.0 / 3661.0)

_NC = 2
_NS = 16
_NW = _NC * _NS
_RPW = N_ROWS // _NW
_HALF = _RPW // 2


def _tc_table_body(table_ref, w_ref, b_ref, out_ref):
    prod = lax.dot_general(
        table_ref[...], w_ref[...],
        (((1,), (1,)), ((), ())),
        preferred_element_type=jnp.float32,
    )
    h = prod + b_ref[...]
    out_ref[...] = jnp.concatenate(
        [h, jnp.zeros((MAX_LEN, D_PAD - N_HID), jnp.float32)], axis=1)


_tc_table = pl.pallas_call(
    _tc_table_body,
    out_shape=jax.ShapeDtypeStruct((MAX_LEN, D_PAD), jnp.float32),
)


def _sc_body(t_hbm, tw_hbm, out_hbm, tv, rows, acc, hsem0, hsem1, osem):
    wid = lax.axis_index("s") * _NC + lax.axis_index("c")
    base = wid * _RPW
    hsems = (hsem0, hsem1)

    pltpu.sync_copy(t_hbm.at[:, pl.ds(base, _RPW)], tv)

    cps = []
    for h in range(2):
        for k in range(3):
            cps.append(pltpu.async_copy(
                tw_hbm.at[tv.at[k, pl.ds(h * _HALF, _HALF)]],
                rows.at[k, pl.ds(h * _HALF, _HALF)],
                hsems[h]))

    def block_body(i2, carry):
        for u in range(4):
            i = i2 * 4 + u
            for off in (0, 16, 32, N_HID - 16):
                s = pl.ds(off, 16)
                acc[i, s] = (_W_HMS[0] * rows[0, i, s]
                             + _W_HMS[1] * rows[1, i, s]
                             + _W_HMS[2] * rows[2, i, s])
        return carry

    ocps = []
    for h in range(2):
        for k in range(3):
            cps[3 * h + k].wait()
        lax.fori_loop(h * _HALF // 4, (h + 1) * _HALF // 4, block_body, 0)
        ocps.append(pltpu.async_copy(
            acc.at[pl.ds(h * _HALF, _HALF)],
            out_hbm.at[pl.ds(base + h * _HALF, _HALF)],
            osem))
    for cp in ocps:
        cp.wait()


@functools.cache
def _sc_gather():
    return pl.kernel(
        _sc_body,
        out_type=jax.ShapeDtypeStruct((N_ROWS, N_HID), jnp.float32),
        mesh=plsc.VectorSubcoreMesh(core_axis_name="c", subcore_axis_name="s"),
        scratch_types=[
            pltpu.VMEM((3, _RPW), jnp.int32),
            pltpu.VMEM((3, _RPW, D_PAD), jnp.float32),
            pltpu.VMEM((_RPW, N_HID), jnp.float32),
            pltpu.SemaphoreType.DMA,
            pltpu.SemaphoreType.DMA,
            pltpu.SemaphoreType.DMA,
        ],
    )


def kernel(t, table, W, b):
    tw = _tc_table(table, W, b.reshape(1, N_HID))
    return _sc_gather()(t.T, tw)

# --- scband reference (transcript-rebuilt; emitter-appended) ---
"""Pipeline reference for scband-rel-temporal-encoding-69956427317268 (READ-ONLY COPY).

The authoritative reference and input builder live on the scoring server;
editing this copy changes nothing except your own understanding.
"""

import jax, jax.numpy as jnp
import numpy as np
import math

N_HID = 62
MAX_LEN = 3000
N_ROWS = 4096

def _build_table():
    position = np.arange(0.0, MAX_LEN)[:, None]
    div_term_sin = np.exp(np.arange(0, N_HID, 2) * -(math.log(10000.0) / N_HID))
    div_term_cos = np.exp(np.arange(0, N_HID - 1, 2) * -(math.log(10000.0) / N_HID))
    tab = np.zeros((MAX_LEN, N_HID), dtype=np.float32)
    tab[:, 0::2] = np.sin(position * div_term_sin) / math.sqrt(N_HID)
    tab[:, 1::2] = np.cos(position * div_term_cos) / math.sqrt(N_HID)
    return jnp.asarray(tab)

def setup_inputs(seed: int = 0) -> dict:
    key = jax.random.key(seed)
    k1, k2, k3 = jax.random.split(key, 3)
    t = jax.random.randint(k1, (N_ROWS, 3), 0, MAX_LEN, dtype=jnp.int32)
    table = _build_table()
    W = jax.random.normal(k2, (N_HID, N_HID), dtype=jnp.float32) * (1.0 / math.sqrt(N_HID))
    b = jax.random.normal(k3, (N_HID,), dtype=jnp.float32) * 0.01
    return {"t": t, "table": table, "W": W, "b": b}

def reference(t, table, W, b):
    # emb lookup: [N, 3, n_hid]
    e = jnp.take(table, t, axis=0)
    # linear layer (nn.Linear applies x @ W.T + b)
    h = jnp.einsum('nij,kj->nik', e, W) + b
    # weighted sum over the (hour, minute, second) axis
    h_wt = 3600.0 / 3661.0
    m_wt = 60.0 / 3661.0
    s_wt = 1.0 / 3661.0
    w = jnp.array([h_wt, m_wt, s_wt], dtype=h.dtype)
    A = jnp.sum(w[None, :, None] * h, axis=1)  # [N, n_hid]
    return A.reshape(-1, 62)

if __name__ == "__main__":
    import jax
    _d = setup_inputs()
    print(jax.jit(kernel)(*tuple(_d.values())))

</pallas_src>

<mosaic_0001>
#map = affine_map<(d0, d1) -> (0, 0)>
module attributes {stable_mosaic.version = 14 : i64} {
  func.func @_sc_body(%arg0: i32, %arg1: i32, %arg2: memref<3x4096xi32, #tpu.memory_space<hbm>>, %arg3: memref<3000x128xf32, #tpu.memory_space<hbm>>, %arg4: memref<4096x62xf32, #tpu.memory_space<hbm>>, %arg5: memref<3x128xi32, #tpu.memory_space<vmem>>, %arg6: memref<3x128x128xf32, #tpu.memory_space<vmem>>, %arg7: memref<128x62xf32, #tpu.memory_space<vmem>>, %arg8: memref<!tpu.dma_semaphore, #tpu.memory_space<semaphore_mem>>, %arg9: memref<!tpu.dma_semaphore, #tpu.memory_space<semaphore_mem>>, %arg10: memref<!tpu.dma_semaphore, #tpu.memory_space<semaphore_mem>>) attributes {dimension_semantics = [#tpu.dimension_semantics<core_parallel>, #tpu.dimension_semantics<subcore_parallel>], iteration_bounds = array<i64: 2, 16>, scalar_prefetch = 0 : i64, scratch_operands = 6 : i64, tpu.core_type = #tpu.core_type<sc_vector_subcore>, window_params = [{transform_indices = #map}, {transform_indices = #map}, {transform_indices = #map}]} {
    %mul3A = arith.constant 2 : i32
    %mul3A_0 = arith.muli %arg1, %mul3A : i32
    %add3A = arith.addi %mul3A_0, %arg0 : i32
    %mul3A_1 = arith.constant 128 : i32
    %mul3A_2 = arith.muli %add3A, %mul3A_1 : i32
    "tpu.region"() ({
      %run_scoped3A = tpu.sem_alloc : memref<!tpu.dma_semaphore, #tpu.memory_space<semaphore_mem>>
      %dma_start3A_200 = arith.constant 0 : i32
      %dma_start3A_201 = tpu.memref_slice %arg2[%dma_start3A_200, %mul3A_2] : memref<3x4096xi32, #tpu.memory_space<hbm>> -> memref<3x128xi32, #tpu.memory_space<hbm>>
      %dma_start3A_202 = arith.constant 0 : i32
      %dma_start3A_203 = tpu.memref_slice %arg2[%dma_start3A_202, %mul3A_2] : memref<3x4096xi32, #tpu.memory_space<hbm>> -> memref<3x128xi32, #tpu.memory_space<hbm>>
      tpu.enqueue_dma source(%dma_start3A_203 : memref<3x128xi32, #tpu.memory_space<hbm>>) target(%arg5 : memref<3x128xi32, #tpu.memory_space<vmem>>) target_semaphore(%run_scoped3A : memref<!tpu.dma_semaphore, #tpu.memory_space<semaphore_mem>>)
      %dma_wait3A_204 = arith.constant 0 : i32
      %dma_wait3A_205 = tpu.memref_slice %arg2[%dma_wait3A_204, %mul3A_2] : memref<3x4096xi32, #tpu.memory_space<hbm>> -> memref<3x128xi32, #tpu.memory_space<hbm>>
      %dma_wait3A_206 = arith.constant 0 : i32
      %dma_wait3A_207 = tpu.memref_slice %arg2[%dma_wait3A_206, %mul3A_2] : memref<3x4096xi32, #tpu.memory_space<hbm>> -> memref<3x128xi32, #tpu.memory_space<hbm>>
      tpu.wait_dma2 semaphore(%run_scoped3A : memref<!tpu.dma_semaphore, #tpu.memory_space<semaphore_mem>>) src(%dma_wait3A_207 : memref<3x128xi32, #tpu.memory_space<hbm>>) dst(%arg5 : memref<3x128xi32, #tpu.memory_space<vmem>>)
      tpu.yield
    }) : () -> ()
    %dma_start3A = arith.constant 0 : i32
    %dma_start3A_3 = arith.constant 0 : i32
    %dma_start3A_4 = arith.constant 0 : i32
    %dma_start3A_5 = arith.constant 0 : i32
    %dma_start3A_6 = tpu.memref_slice %arg6[%dma_start3A_3, %dma_start3A_4, %dma_start3A_5] : memref<3x128x128xf32, #tpu.memory_space<vmem>> -> memref<1x64x128xf32, #tpu.memory_space<vmem>>
    %dma_start3A_7 = tpu.memref_squeeze %dma_start3A_6 : memref<1x64x128xf32, #tpu.memory_space<vmem>> -> memref<64x128xf32, #tpu.memory_space<vmem>>
    %dma_start3A_8 = arith.constant 0 : i32
    %dma_start3A_9 = tpu.memref_slice %arg5[%dma_start3A, %dma_start3A_8] : memref<3x128xi32, #tpu.memory_space<vmem>> -> memref<1x64xi32, #tpu.memory_space<vmem>>
    %dma_start3A_10 = tpu.memref_squeeze %dma_start3A_9 : memref<1x64xi32, #tpu.memory_space<vmem>> -> memref<64xi32, #tpu.memory_space<vmem>>
    %dma_start3A_11 = arith.constant 0 : i32
    %dma_start3A_12 = arith.constant 0 : i32
    %dma_start3A_13 = tpu.memref_slice %arg3[%dma_start3A_11, %dma_start3A_12] : memref<3000x128xf32, #tpu.memory_space<hbm>> -> memref<3000x128xf32, #tpu.memory_space<hbm>>
    tpu.enqueue_indirect_dma source(%dma_start3A_13 : memref<3000x128xf32, #tpu.memory_space<hbm>>) target(%dma_start3A_7 : memref<64x128xf32, #tpu.memory_space<vmem>>) offsets(%dma_start3A_10 : memref<64xi32, #tpu.memory_space<vmem>>) semaphore(%arg8 : memref<!tpu.dma_semaphore, #tpu.memory_space<semaphore_mem>>)
    %dma_start3A_14 = arith.constant 1 : i32
    %dma_start3A_15 = arith.constant 1 : i32
    %dma_start3A_16 = arith.constant 0 : i32
    %dma_start3A_17 = arith.constant 0 : i32
    %dma_start3A_18 = tpu.memref_slice %arg6[%dma_start3A_15, %dma_start3A_16, %dma_start3A_17] : memref<3x128x128xf32, #tpu.memory_space<vmem>> -> memref<1x64x128xf32, #tpu.memory_space<vmem>>
    %dma_start3A_19 = tpu.memref_squeeze %dma_start3A_18 : memref<1x64x128xf32, #tpu.memory_space<vmem>> -> memref<64x128xf32, #tpu.memory_space<vmem>>
    %dma_start3A_20 = arith.constant 0 : i32
    %dma_start3A_21 = tpu.memref_slice %arg5[%dma_start3A_14, %dma_start3A_20] : memref<3x128xi32, #tpu.memory_space<vmem>> -> memref<1x64xi32, #tpu.memory_space<vmem>>
    %dma_start3A_22 = tpu.memref_squeeze %dma_start3A_21 : memref<1x64xi32, #tpu.memory_space<vmem>> -> memref<64xi32, #tpu.memory_space<vmem>>
    %dma_start3A_23 = arith.constant 0 : i32
    %dma_start3A_24 = arith.constant 0 : i32
    %dma_start3A_25 = tpu.memref_slice %arg3[%dma_start3A_23, %dma_start3A_24] : memref<3000x128xf32, #tpu.memory_space<hbm>> -> memref<3000x128xf32, #tpu.memory_space<hbm>>
    tpu.enqueue_indirect_dma source(%dma_start3A_25 : memref<3000x128xf32, #tpu.memory_space<hbm>>) target(%dma_start3A_19 : memref<64x128xf32, #tpu.memory_space<vmem>>) offsets(%dma_start3A_22 : memref<64xi32, #tpu.memory_space<vmem>>) semaphore(%arg8 : memref<!tpu.dma_semaphore, #tpu.memory_space<semaphore_mem>>)
    %dma_start3A_26 = arith.constant 2 : i32
    %dma_start3A_27 = arith.constant 2 : i32
    %dma_start3A_28 = arith.constant 0 : i32
    %dma_start3A_29 = arith.constant 0 : i32
    %dma_start3A_30 = tpu.memref_slice %arg6[%dma_start3A_27, %dma_start3A_28, %dma_start3A_29] : memref<3x128x128xf32, #tpu.memory_space<vmem>> -> memref<1x64x128xf32, #tpu.memory_space<vmem>>
    %dma_start3A_31 = tpu.memref_squeeze %dma_start3A_30 : memref<1x64x128xf32, #tpu.memory_space<vmem>> -> memref<64x128xf32, #tpu.memory_space<vmem>>
    %dma_start3A_32 = arith.constant 0 : i32
    %dma_start3A_33 = tpu.memref_slice %arg5[%dma_start3A_26, %dma_start3A_32] : memref<3x128xi32, #tpu.memory_space<vmem>> -> memref<1x64xi32, #tpu.memory_space<vmem>>
    %dma_start3A_34 = tpu.memref_squeeze %dma_start3A_33 : memref<1x64xi32, #tpu.memory_space<vmem>> -> memref<64xi32, #tpu.memory_space<vmem>>
    %dma_start3A_35 = arith.constant 0 : i32
    %dma_start3A_36 = arith.constant 0 : i32
    %dma_start3A_37 = tpu.memref_slice %arg3[%dma_start3A_35, %dma_start3A_36] : memref<3000x128xf32, #tpu.memory_space<hbm>> -> memref<3000x128xf32, #tpu.memory_space<hbm>>
    tpu.enqueue_indirect_dma source(%dma_start3A_37 : memref<3000x128xf32, #tpu.memory_space<hbm>>) target(%dma_start3A_31 : memref<64x128xf32, #tpu.memory_space<vmem>>) offsets(%dma_start3A_34 : memref<64xi32, #tpu.memory_space<vmem>>) semaphore(%arg8 : memref<!tpu.dma_semaphore, #tpu.memory_space<semaphore_mem>>)
    %dma_start3A_38 = arith.constant 0 : i32
    %dma_start3A_39 = arith.constant 0 : i32
    %dma_start3A_40 = arith.constant 64 : i32
    %dma_start3A_41 = arith.constant 0 : i32
    %dma_start3A_42 = tpu.memref_slice %arg6[%dma_start3A_39, %dma_start3A_40, %dma_start3A_41] : memref<3x128x128xf32, #tpu.memory_space<vmem>> -> memref<1x64x128xf32, #tpu.memory_space<vmem>>
    %dma_start3A_43 = tpu.memref_squeeze %dma_start3A_42 : memref<1x64x128xf32, #tpu.memory_space<vmem>> -> memref<64x128xf32, #tpu.memory_space<vmem>>
    %dma_start3A_44 = arith.constant 64 : i32
    %dma_start3A_45 = tpu.memref_slice %arg5[%dma_start3A_38, %dma_start3A_44] : memref<3x128xi32, #tpu.memory_space<vmem>> -> memref<1x64xi32, #tpu.memory_space<vmem>>
    %dma_start3A_46 = tpu.memref_squeeze %dma_start3A_45 : memref<1x64xi32, #tpu.memory_space<vmem>> -> memref<64xi32, #tpu.memory_space<vmem>>
    %dma_start3A_47 = arith.constant 0 : i32
    %dma_start3A_48 = arith.constant 0 : i32
    %dma_start3A_49 = tpu.memref_slice %arg3[%dma_start3A_47, %dma_start3A_48] : memref<3000x128xf32, #tpu.memory_space<hbm>> -> memref<3000x128xf32, #tpu.memory_space<hbm>>
    tpu.enqueue_indirect_dma source(%dma_start3A_49 : memref<3000x128xf32, #tpu.memory_space<hbm>>) target(%dma_start3A_43 : memref<64x128xf32, #tpu.memory_space<vmem>>) offsets(%dma_start3A_46 : memref<64xi32, #tpu.memory_space<vmem>>) semaphore(%arg9 : memref<!tpu.dma_semaphore, #tpu.memory_space<semaphore_mem>>)
    %dma_start3A_50 = arith.constant 1 : i32
    %dma_start3A_51 = arith.constant 1 : i32
    %dma_start3A_52 = arith.constant 64 : i32
    %dma_start3A_53 = arith.constant 0 : i32
    %dma_start3A_54 = tpu.memref_slice %arg6[%dma_start3A_51, %dma_start3A_52, %dma_start3A_53] : memref<3x128x128xf32, #tpu.memory_space<vmem>> -> memref<1x64x128xf32, #tpu.memory_space<vmem>>
    %dma_start3A_55 = tpu.memref_squeeze %dma_start3A_54 : memref<1x64x128xf32, #tpu.memory_space<vmem>> -> memref<64x128xf32, #tpu.memory_space<vmem>>
    %dma_start3A_56 = arith.constant 64 : i32
    %dma_start3A_57 = tpu.memref_slice %arg5[%dma_start3A_50, %dma_start3A_56] : memref<3x128xi32, #tpu.memory_space<vmem>> -> memref<1x64xi32, #tpu.memory_space<vmem>>
    %dma_start3A_58 = tpu.memref_squeeze %dma_start3A_57 : memref<1x64xi32, #tpu.memory_space<vmem>> -> memref<64xi32, #tpu.memory_space<vmem>>
    %dma_start3A_59 = arith.constant 0 : i32
    %dma_start3A_60 = arith.constant 0 : i32
    %dma_start3A_61 = tpu.memref_slice %arg3[%dma_start3A_59, %dma_start3A_60] : memref<3000x128xf32, #tpu.memory_space<hbm>> -> memref<3000x128xf32, #tpu.memory_space<hbm>>
    tpu.enqueue_indirect_dma source(%dma_start3A_61 : memref<3000x128xf32, #tpu.memory_space<hbm>>) target(%dma_start3A_55 : memref<64x128xf32, #tpu.memory_space<vmem>>) offsets(%dma_start3A_58 : memref<64xi32, #tpu.memory_space<vmem>>) semaphore(%arg9 : memref<!tpu.dma_semaphore, #tpu.memory_space<semaphore_mem>>)
    %dma_start3A_62 = arith.constant 2 : i32
    %dma_start3A_63 = arith.constant 2 : i32
    %dma_start3A_64 = arith.constant 64 : i32
    %dma_start3A_65 = arith.constant 0 : i32
    %dma_start3A_66 = tpu.memref_slice %arg6[%dma_start3A_63, %dma_start3A_64, %dma_start3A_65] : memref<3x128x128xf32, #tpu.memory_space<vmem>> -> memref<1x64x128xf32, #tpu.memory_space<vmem>>
    %dma_start3A_67 = tpu.memref_squeeze %dma_start3A_66 : memref<1x64x128xf32, #tpu.memory_space<vmem>> -> memref<64x128xf32, #tpu.memory_space<vmem>>
    %dma_start3A_68 = arith.constant 64 : i32
    %dma_start3A_69 = tpu.memref_slice %arg5[%dma_start3A_62, %dma_start3A_68] : memref<3x128xi32, #tpu.memory_space<vmem>> -> memref<1x64xi32, #tpu.memory_space<vmem>>
    %dma_start3A_70 = tpu.memref_squeeze %dma_start3A_69 : memref<1x64xi32, #tpu.memory_space<vmem>> -> memref<64xi32, #tpu.memory_space<vmem>>
    %dma_start3A_71 = arith.constant 0 : i32
    %dma_start3A_72 = arith.constant 0 : i32
    %dma_start3A_73 = tpu.memref_slice %arg3[%dma_start3A_71, %dma_start3A_72] : memref<3000x128xf32, #tpu.memory_space<hbm>> -> memref<3000x128xf32, #tpu.memory_space<hbm>>
    tpu.enqueue_indirect_dma source(%dma_start3A_73 : memref<3000x128xf32, #tpu.memory_space<hbm>>) target(%dma_start3A_67 : memref<64x128xf32, #tpu.memory_space<vmem>>) offsets(%dma_start3A_70 : memref<64xi32, #tpu.memory_space<vmem>>) semaphore(%arg9 : memref<!tpu.dma_semaphore, #tpu.memory_space<semaphore_mem>>)
    %dma_wait3A = arith.constant 0 : i32
    %dma_wait3A_74 = arith.constant 0 : i32
    %dma_wait3A_75 = arith.constant 0 : i32
    %dma_wait3A_76 = arith.constant 0 : i32
    %dma_wait3A_77 = tpu.memref_slice %arg6[%dma_wait3A_74, %dma_wait3A_75, %dma_wait3A_76] : memref<3x128x128xf32, #tpu.memory_space<vmem>> -> memref<1x64x128xf32, #tpu.memory_space<vmem>>
    %dma_wait3A_78 = tpu.memref_squeeze %dma_wait3A_77 : memref<1x64x128xf32, #tpu.memory_space<vmem>> -> memref<64x128xf32, #tpu.memory_space<vmem>>
    %dma_wait3A_79 = arith.constant 0 : i32
    %dma_wait3A_80 = tpu.memref_slice %arg5[%dma_wait3A, %dma_wait3A_79] : memref<3x128xi32, #tpu.memory_space<vmem>> -> memref<1x64xi32, #tpu.memory_space<vmem>>
    %dma_wait3A_81 = tpu.memref_squeeze %dma_wait3A_80 : memref<1x64xi32, #tpu.memory_space<vmem>> -> memref<64xi32, #tpu.memory_space<vmem>>
    %dma_wait3A_82 = arith.constant 0 : i32
    %dma_wait3A_83 = arith.constant 0 : i32
    %dma_wait3A_84 = tpu.memref_slice %arg3[%dma_wait3A_82, %dma_wait3A_83] : memref<3000x128xf32, #tpu.memory_space<hbm>> -> memref<3000x128xf32, #tpu.memory_space<hbm>>
    tpu.wait_indirect_dma semaphore(%arg8 : memref<!tpu.dma_semaphore, #tpu.memory_space<semaphore_mem>>) src(%dma_wait3A_84 : memref<3000x128xf32, #tpu.memory_space<hbm>>) dst(%dma_wait3A_78 : memref<64x128xf32, #tpu.memory_space<vmem>>)
    %dma_wait3A_85 = arith.constant 1 : i32
    %dma_wait3A_86 = arith.constant 1 : i32
    %dma_wait3A_87 = arith.constant 0 : i32
    %dma_wait3A_88 = arith.constant 0 : i32
    %dma_wait3A_89 = tpu.memref_slice %arg6[%dma_wait3A_86, %dma_wait3A_87, %dma_wait3A_88] : memref<3x128x128xf32, #tpu.memory_space<vmem>> -> memref<1x64x128xf32, #tpu.memory_space<vmem>>
    %dma_wait3A_90 = tpu.memref_squeeze %dma_wait3A_89 : memref<1x64x128xf32, #tpu.memory_space<vmem>> -> memref<64x128xf32, #tpu.memory_space<vmem>>
    %dma_wait3A_91 = arith.constant 0 : i32
    %dma_wait3A_92 = tpu.memref_slice %arg5[%dma_wait3A_85, %dma_wait3A_91] : memref<3x128xi32, #tpu.memory_space<vmem>> -> memref<1x64xi32, #tpu.memory_space<vmem>>
    %dma_wait3A_93 = tpu.memref_squeeze %dma_wait3A_92 : memref<1x64xi32, #tpu.memory_space<vmem>> -> memref<64xi32, #tpu.memory_space<vmem>>
    %dma_wait3A_94 = arith.constant 0 : i32
    %dma_wait3A_95 = arith.constant 0 : i32
    %dma_wait3A_96 = tpu.memref_slice %arg3[%dma_wait3A_94, %dma_wait3A_95] : memref<3000x128xf32, #tpu.memory_space<hbm>> -> memref<3000x128xf32, #tpu.memory_space<hbm>>
    tpu.wait_indirect_dma semaphore(%arg8 : memref<!tpu.dma_semaphore, #tpu.memory_space<semaphore_mem>>) src(%dma_wait3A_96 : memref<3000x128xf32, #tpu.memory_space<hbm>>) dst(%dma_wait3A_90 : memref<64x128xf32, #tpu.memory_space<vmem>>)
    %dma_wait3A_97 = arith.constant 2 : i32
    %dma_wait3A_98 = arith.constant 2 : i32
    %dma_wait3A_99 = arith.constant 0 : i32
    %dma_wait3A_100 = arith.constant 0 : i32
    %dma_wait3A_101 = tpu.memref_slice %arg6[%dma_wait3A_98, %dma_wait3A_99, %dma_wait3A_100] : memref<3x128x128xf32, #tpu.memory_space<vmem>> -> memref<1x64x128xf32, #tpu.memory_space<vmem>>
    %dma_wait3A_102 = tpu.memref_squeeze %dma_wait3A_101 : memref<1x64x128xf32, #tpu.memory_space<vmem>> -> memref<64x128xf32, #tpu.memory_space<vmem>>
    %dma_wait3A_103 = arith.constant 0 : i32
    %dma_wait3A_104 = tpu.memref_slice %arg5[%dma_wait3A_97, %dma_wait3A_103] : memref<3x128xi32, #tpu.memory_space<vmem>> -> memref<1x64xi32, #tpu.memory_space<vmem>>
    %dma_wait3A_105 = tpu.memref_squeeze %dma_wait3A_104 : memref<1x64xi32, #tpu.memory_space<vmem>> -> memref<64xi32, #tpu.memory_space<vmem>>
    %dma_wait3A_106 = arith.constant 0 : i32
    %dma_wait3A_107 = arith.constant 0 : i32
    %dma_wait3A_108 = tpu.memref_slice %arg3[%dma_wait3A_106, %dma_wait3A_107] : memref<3000x128xf32, #tpu.memory_space<hbm>> -> memref<3000x128xf32, #tpu.memory_space<hbm>>
    tpu.wait_indirect_dma semaphore(%arg8 : memref<!tpu.dma_semaphore, #tpu.memory_space<semaphore_mem>>) src(%dma_wait3A_108 : memref<3000x128xf32, #tpu.memory_space<hbm>>) dst(%dma_wait3A_102 : memref<64x128xf32, #tpu.memory_space<vmem>>)
    %scan3A = arith.constant 0 : i32
    %scan3A_109 = arith.constant 0 : i32
    %scan3A_110 = arith.constant 16 : i32
    %scan3A_111 = arith.addi %scan3A_109, %scan3A_110 : i32
    %scan3A_112 = arith.constant 1 : i32
    scf.for %scan3A_200 = %scan3A_109 to %scan3A_111 step %scan3A_112  : i32 {
      %mul3A_201 = arith.constant 4 : i32
      %mul3A_202 = arith.muli %scan3A_200, %mul3A_201 : i32
      %add3A_203 = arith.constant 0 : i32
      %add3A_204 = arith.addi %mul3A_202, %add3A_203 : i32
      %get3A = arith.constant 0 : i32
      %get3A_205 = arith.index_cast %get3A : i32 to index
      %get3A_206 = arith.index_cast %add3A_204 : i32 to index
      %get3A_207 = arith.constant 0 : index
      %get3A_208 = tpu.vector_load %arg6[%get3A_205, %get3A_206, %get3A_207] {strides = array<i32>} : memref<3x128x128xf32, #tpu.memory_space<vmem>>, vector<1x1x16xf32>,
      %get3A_209 = vector.shape_cast %get3A_208 : vector<1x1x16xf32> to vector<16xf32>
      %mul3A_210 = arith.constant 0.983337879 : f32
      %mul3A_211 = vector.broadcast %mul3A_210 : f32 to vector<16xf32>
      %mul3A_212 = arith.mulf %mul3A_211, %get3A_209 : vector<16xf32>
      %get3A_213 = arith.constant 1 : i32
      %get3A_214 = arith.index_cast %get3A_213 : i32 to index
      %get3A_215 = arith.index_cast %add3A_204 : i32 to index
      %get3A_216 = arith.constant 0 : index
      %get3A_217 = tpu.vector_load %arg6[%get3A_214, %get3A_215, %get3A_216] {strides = array<i32>} : memref<3x128x128xf32, #tpu.memory_space<vmem>>, vector<1x1x16xf32>,
      %get3A_218 = vector.shape_cast %get3A_217 : vector<1x1x16xf32> to vector<16xf32>
      %mul3A_219 = arith.constant 0.0163889639 : f32
      %mul3A_220 = vector.broadcast %mul3A_219 : f32 to vector<16xf32>
      %mul3A_221 = arith.mulf %mul3A_220, %get3A_218 : vector<16xf32>
      %add3A_222 = arith.addf %mul3A_212, %mul3A_221 : vector<16xf32>
      %get3A_223 = arith.constant 2 : i32
      %get3A_224 = arith.index_cast %get3A_223 : i32 to index
      %get3A_225 = arith.index_cast %add3A_204 : i32 to index
      %get3A_226 = arith.constant 0 : index
      %get3A_227 = tpu.vector_load %arg6[%get3A_224, %get3A_225, %get3A_226] {strides = array<i32>} : memref<3x128x128xf32, #tpu.memory_space<vmem>>, vector<1x1x16xf32>,
      %get3A_228 = vector.shape_cast %get3A_227 : vector<1x1x16xf32> to vector<16xf32>
      %mul3A_229 = arith.constant 2.73149402E-4 : f32
      %mul3A_230 = vector.broadcast %mul3A_229 : f32 to vector<16xf32>
      %mul3A_231 = arith.mulf %mul3A_230, %get3A_228 : vector<16xf32>
      %add3A_232 = arith.addf %add3A_222, %mul3A_231 : vector<16xf32>
      %swap3A = arith.index_cast %add3A_204 : i32 to index
      %swap3A_233 = arith.constant 0 : index
      %swap3A_234 = tpu.vector_load %arg7[%swap3A, %swap3A_233] {strides = array<i32>} : memref<128x62xf32, #tpu.memory_space<vmem>>, vector<1x16xf32>,
      %swap3A_235 = vector.shape_cast %swap3A_234 : vector<1x16xf32> to vector<16xf32>
      %swap3A_236 = vector.shape_cast %add3A_232 : vector<16xf32> to vector<1x16xf32>
      tpu.vector_store %arg7[%swap3A, %swap3A_233], %swap3A_236 {strides = array<i32>} : memref<128x62xf32, #tpu.memory_space<vmem>>, vector<1x16xf32>,
      %get3A_237 = arith.constant 0 : i32
      %get3A_238 = arith.index_cast %get3A_237 : i32 to index
      %get3A_239 = arith.index_cast %add3A_204 : i32 to index
      %get3A_240 = arith.constant 16 : index
      %get3A_241 = tpu.vector_load %arg6[%get3A_238, %get3A_239, %get3A_240] {strides = array<i32>} : memref<3x128x128xf32, #tpu.memory_space<vmem>>, vector<1x1x16xf32>,
      %get3A_242 = vector.shape_cast %get3A_241 : vector<1x1x16xf32> to vector<16xf32>
      %mul3A_243 = arith.constant 0.983337879 : f32
      %mul3A_244 = vector.broadcast %mul3A_243 : f32 to vector<16xf32>
      %mul3A_245 = arith.mulf %mul3A_244, %get3A_242 : vector<16xf32>
      %get3A_246 = arith.constant 1 : i32
      %get3A_247 = arith.index_cast %get3A_246 : i32 to index
      %get3A_248 = arith.index_cast %add3A_204 : i32 to index
      %get3A_249 = arith.constant 16 : index
      %get3A_250 = tpu.vector_load %arg6[%get3A_247, %get3A_248, %get3A_249] {strides = array<i32>} : memref<3x128x128xf32, #tpu.memory_space<vmem>>, vector<1x1x16xf32>,
      %get3A_251 = vector.shape_cast %get3A_250 : vector<1x1x16xf32> to vector<16xf32>
      %mul3A_252 = arith.constant 0.0163889639 : f32
      %mul3A_253 = vector.broadcast %mul3A_252 : f32 to vector<16xf32>
      %mul3A_254 = arith.mulf %mul3A_253, %get3A_251 : vector<16xf32>
      %add3A_255 = arith.addf %mul3A_245, %mul3A_254 : vector<16xf32>
      %get3A_256 = arith.constant 2 : i32
      %get3A_257 = arith.index_cast %get3A_256 : i32 to index
      %get3A_258 = arith.index_cast %add3A_204 : i32 to index
      %get3A_259 = arith.constant 16 : index
      %get3A_260 = tpu.vector_load %arg6[%get3A_257, %get3A_258, %get3A_259] {strides = array<i32>} : memref<3x128x128xf32, #tpu.memory_space<vmem>>, vector<1x1x16xf32>,
      %get3A_261 = vector.shape_cast %get3A_260 : vector<1x1x16xf32> to vector<16xf32>
      %mul3A_262 = arith.constant 2.73149402E-4 : f32
      %mul3A_263 = vector.broadcast %mul3A_262 : f32 to vector<16xf32>
      %mul3A_264 = arith.mulf %mul3A_263, %get3A_261 : vector<16xf32>
      %add3A_265 = arith.addf %add3A_255, %mul3A_264 : vector<16xf32>
      %swap3A_266 = arith.index_cast %add3A_204 : i32 to index
      %swap3A_267 = arith.constant 16 : index
      %swap3A_268 = tpu.vector_load %arg7[%swap3A_266, %swap3A_267] {strides = array<i32>} : memref<128x62xf32, #tpu.memory_space<vmem>>, vector<1x16xf32>,
      %swap3A_269 = vector.shape_cast %swap3A_268 : vector<1x16xf32> to vector<16xf32>
      %swap3A_270 = vector.shape_cast %add3A_265 : vector<16xf32> to vector<1x16xf32>
      tpu.vector_store %arg7[%swap3A_266, %swap3A_267], %swap3A_270 {strides = array<i32>} : memref<128x62xf32, #tpu.memory_space<vmem>>, vector<1x16xf32>,
      %get3A_271 = arith.constant 0 : i32
      %get3A_272 = arith.index_cast %get3A_271 : i32 to index
      %get3A_273 = arith.index_cast %add3A_204 : i32 to index
      %get3A_274 = arith.constant 32 : index
      %get3A_275 = tpu.vector_load %arg6[%get3A_272, %get3A_273, %get3A_274] {strides = array<i32>} : memref<3x128x128xf32, #tpu.memory_space<vmem>>, vector<1x1x16xf32>,
      %get3A_276 = vector.shape_cast %get3A_275 : vector<1x1x16xf32> to vector<16xf32>
      %mul3A_277 = arith.constant 0.983337879 : f32
      %mul3A_278 = vector.broadcast %mul3A_277 : f32 to vector<16xf32>
      %mul3A_279 = arith.mulf %mul3A_278, %get3A_276 : vector<16xf32>
      %get3A_280 = arith.constant 1 : i32
      %get3A_281 = arith.index_cast %get3A_280 : i32 to index
      %get3A_282 = arith.index_cast %add3A_204 : i32 to index
      %get3A_283 = arith.constant 32 : index
      %get3A_284 = tpu.vector_load %arg6[%get3A_281, %get3A_282, %get3A_283] {strides = array<i32>} : memref<3x128x128xf32, #tpu.memory_space<vmem>>, vector<1x1x16xf32>,
      %get3A_285 = vector.shape_cast %get3A_284 : vector<1x1x16xf32> to vector<16xf32>
      %mul3A_286 = arith.constant 0.0163889639 : f32
      %mul3A_287 = vector.broadcast %mul3A_286 : f32 to vector<16xf32>
      %mul3A_288 = arith.mulf %mul3A_287, %get3A_285 : vector<16xf32>
      %add3A_289 = arith.addf %mul3A_279, %mul3A_288 : vector<16xf32>
      %get3A_290 = arith.constant 2 : i32
      %get3A_291 = arith.index_cast %get3A_290 : i32 to index
      %get3A_292 = arith.index_cast %add3A_204 : i32 to index
      %get3A_293 = arith.constant 32 : index
      %get3A_294 = tpu.vector_load %arg6[%get3A_291, %get3A_292, %get3A_293] {strides = array<i32>} : memref<3x128x128xf32, #tpu.memory_space<vmem>>, vector<1x1x16xf32>,
      %get3A_295 = vector.shape_cast %get3A_294 : vector<1x1x16xf32> to vector<16xf32>
      %mul3A_296 = arith.constant 2.73149402E-4 : f32
      %mul3A_297 = vector.broadcast %mul3A_296 : f32 to vector<16xf32>
      %mul3A_298 = arith.mulf %mul3A_297, %get3A_295 : vector<16xf32>
      %add3A_299 = arith.addf %add3A_289, %mul3A_298 : vector<16xf32>
      %swap3A_300 = arith.index_cast %add3A_204 : i32 to index
      %swap3A_301 = arith.constant 32 : index
      %swap3A_302 = tpu.vector_load %arg7[%swap3A_300, %swap3A_301] {strides = array<i32>} : memref<128x62xf32, #tpu.memory_space<vmem>>, vector<1x16xf32>,
      %swap3A_303 = vector.shape_cast %swap3A_302 : vector<1x16xf32> to vector<16xf32>
      %swap3A_304 = vector.shape_cast %add3A_299 : vector<16xf32> to vector<1x16xf32>
      tpu.vector_store %arg7[%swap3A_300, %swap3A_301], %swap3A_304 {strides = array<i32>} : memref<128x62xf32, #tpu.memory_space<vmem>>, vector<1x16xf32>,
      %get3A_305 = arith.constant 0 : i32
      %get3A_306 = arith.index_cast %get3A_305 : i32 to index
      %get3A_307 = arith.index_cast %add3A_204 : i32 to index
      %get3A_308 = arith.constant 46 : index
      %get3A_309 = tpu.vector_load %arg6[%get3A_306, %get3A_307, %get3A_308] {strides = array<i32>} : memref<3x128x128xf32, #tpu.memory_space<vmem>>, vector<1x1x16xf32>,
      %get3A_310 = vector.shape_cast %get3A_309 : vector<1x1x16xf32> to vector<16xf32>
      %mul3A_311 = arith.constant 0.983337879 : f32
      %mul3A_312 = vector.broadcast %mul3A_311 : f32 to vector<16xf32>
      %mul3A_313 = arith.mulf %mul3A_312, %get3A_310 : vector<16xf32>
      %get3A_314 = arith.constant 1 : i32
      %get3A_315 = arith.index_cast %get3A_314 : i32 to index
      %get3A_316 = arith.index_cast %add3A_204 : i32 to index
      %get3A_317 = arith.constant 46 : index
      %get3A_318 = tpu.vector_load %arg6[%get3A_315, %get3A_316, %get3A_317] {strides = array<i32>} : memref<3x128x128xf32, #tpu.memory_space<vmem>>, vector<1x1x16xf32>,
      %get3A_319 = vector.shape_cast %get3A_318 : vector<1x1x16xf32> to vector<16xf32>
      %mul3A_320 = arith.constant 0.0163889639 : f32
      %mul3A_321 = vector.broadcast %mul3A_320 : f32 to vector<16xf32>
      %mul3A_322 = arith.mulf %mul3A_321, %get3A_319 : vector<16xf32>
      %add3A_323 = arith.addf %mul3A_313, %mul3A_322 : vector<16xf32>
      %get3A_324 = arith.constant 2 : i32
      %get3A_325 = arith.index_cast %get3A_324 : i32 to index
      %get3A_326 = arith.index_cast %add3A_204 : i32 to index
      %get3A_327 = arith.constant 46 : index
      %get3A_328 = tpu.vector_load %arg6[%get3A_325, %get3A_326, %get3A_327] {strides = array<i32>} : memref<3x128x128xf32, #tpu.memory_space<vmem>>, vector<1x1x16xf32>,
      %get3A_329 = vector.shape_cast %get3A_328 : vector<1x1x16xf32> to vector<16xf32>
      %mul3A_330 = arith.constant 2.73149402E-4 : f32
      %mul3A_331 = vector.broadcast %mul3A_330 : f32 to vector<16xf32>
      %mul3A_332 = arith.mulf %mul3A_331, %get3A_329 : vector<16xf32>
      %add3A_333 = arith.addf %add3A_323, %mul3A_332 : vector<16xf32>
      %swap3A_334 = arith.index_cast %add3A_204 : i32 to index
      %swap3A_335 = arith.constant 46 : index
      %swap3A_336 = tpu.vector_load %arg7[%swap3A_334, %swap3A_335] {strides = array<i32>} : memref<128x62xf32, #tpu.memory_space<vmem>>, vector<1x16xf32>,
      %swap3A_337 = vector.shape_cast %swap3A_336 : vector<1x16xf32> to vector<16xf32>
      %swap3A_338 = vector.shape_cast %add3A_333 : vector<16xf32> to vector<1x16xf32>
      tpu.vector_store %arg7[%swap3A_334, %swap3A_335], %swap3A_338 {strides = array<i32>} : memref<128x62xf32, #tpu.memory_space<vmem>>, vector<1x16xf32>,
      %mul3A_339 = arith.constant 4 : i32
      %mul3A_340 = arith.muli %scan3A_200, %mul3A_339 : i32
      %add3A_341 = arith.constant 1 : i32
      %add3A_342 = arith.addi %mul3A_340, %add3A_341 : i32
      %get3A_343 = arith.constant 0 : i32
      %get3A_344 = arith.index_cast %get3A_343 : i32 to index
      %get3A_345 = arith.index_cast %add3A_342 : i32 to index
      %get3A_346 = arith.constant 0 : index
      %get3A_347 = tpu.vector_load %arg6[%get3A_344, %get3A_345, %get3A_346] {strides = array<i32>} : memref<3x128x128xf32, #tpu.memory_space<vmem>>, vector<1x1x16xf32>,
      %get3A_348 = vector.shape_cast %get3A_347 : vector<1x1x16xf32> to vector<16xf32>
      %mul3A_349 = arith.constant 0.983337879 : f32
      %mul3A_350 = vector.broadcast %mul3A_349 : f32 to vector<16xf32>
      %mul3A_351 = arith.mulf %mul3A_350, %get3A_348 : vector<16xf32>
      %get3A_352 = arith.constant 1 : i32
      %get3A_353 = arith.index_cast %get3A_352 : i32 to index
      %get3A_354 = arith.index_cast %add3A_342 : i32 to index
      %get3A_355 = arith.constant 0 : index
      %get3A_356 = tpu.vector_load %arg6[%get3A_353, %get3A_354, %get3A_355] {strides = array<i32>} : memref<3x128x128xf32, #tpu.memory_space<vmem>>, vector<1x1x16xf32>,
      %get3A_357 = vector.shape_cast %get3A_356 : vector<1x1x16xf32> to vector<16xf32>
      %mul3A_358 = arith.constant 0.0163889639 : f32
      %mul3A_359 = vector.broadcast %mul3A_358 : f32 to vector<16xf32>
      %mul3A_360 = arith.mulf %mul3A_359, %get3A_357 : vector<16xf32>
      %add3A_361 = arith.addf %mul3A_351, %mul3A_360 : vector<16xf32>
      %get3A_362 = arith.constant 2 : i32
      %get3A_363 = arith.index_cast %get3A_362 : i32 to index
      %get3A_364 = arith.index_cast %add3A_342 : i32 to index
      %get3A_365 = arith.constant 0 : index
      %get3A_366 = tpu.vector_load %arg6[%get3A_363, %get3A_364, %get3A_365] {strides = array<i32>} : memref<3x128x128xf32, #tpu.memory_space<vmem>>, vector<1x1x16xf32>,
      %get3A_367 = vector.shape_cast %get3A_366 : vector<1x1x16xf32> to vector<16xf32>
      %mul3A_368 = arith.constant 2.73149402E-4 : f32
      %mul3A_369 = vector.broadcast %mul3A_368 : f32 to vector<16xf32>
      %mul3A_370 = arith.mulf %mul3A_369, %get3A_367 : vector<16xf32>
      %add3A_371 = arith.addf %add3A_361, %mul3A_370 : vector<16xf32>
      %swap3A_372 = arith.index_cast %add3A_342 : i32 to index
      %swap3A_373 = arith.constant 0 : index
      %swap3A_374 = tpu.vector_load %arg7[%swap3A_372, %swap3A_373] {strides = array<i32>} : memref<128x62xf32, #tpu.memory_space<vmem>>, vector<1x16xf32>,
      %swap3A_375 = vector.shape_cast %swap3A_374 : vector<1x16xf32> to vector<16xf32>
      %swap3A_376 = vector.shape_cast %add3A_371 : vector<16xf32> to vector<1x16xf32>
      tpu.vector_store %arg7[%swap3A_372, %swap3A_373], %swap3A_376 {strides = array<i32>} : memref<128x62xf32, #tpu.memory_space<vmem>>, vector<1x16xf32>,
      %get3A_377 = arith.constant 0 : i32
      %get3A_378 = arith.index_cast %get3A_377 : i32 to index
      %get3A_379 = arith.index_cast %add3A_342 : i32 to index
      %get3A_380 = arith.constant 16 : index
      %get3A_381 = tpu.vector_load %arg6[%get3A_378, %get3A_379, %get3A_380] {strides = array<i32>} : memref<3x128x128xf32, #tpu.memory_space<vmem>>, vector<1x1x16xf32>,
      %get3A_382 = vector.shape_cast %get3A_381 : vector<1x1x16xf32> to vector<16xf32>
      %mul3A_383 = arith.constant 0.983337879 : f32
      %mul3A_384 = vector.broadcast %mul3A_383 : f32 to vector<16xf32>
      %mul3A_385 = arith.mulf %mul3A_384, %get3A_382 : vector<16xf32>
      %get3A_386 = arith.constant 1 : i32
      %get3A_387 = arith.index_cast %get3A_386 : i32 to index
      %get3A_388 = arith.index_cast %add3A_342 : i32 to index
      %get3A_389 = arith.constant 16 : index
      %get3A_390 = tpu.vector_load %arg6[%get3A_387, %get3A_388, %get3A_389] {strides = array<i32>} : memref<3x128x128xf32, #tpu.memory_space<vmem>>, vector<1x1x16xf32>,
      %get3A_391 = vector.shape_cast %get3A_390 : vector<1x1x16xf32> to vector<16xf32>
      %mul3A_392 = arith.constant 0.0163889639 : f32
      %mul3A_393 = vector.broadcast %mul3A_392 : f32 to vector<16xf32>
      %mul3A_394 = arith.mulf %mul3A_393, %get3A_391 : vector<16xf32>
      %add3A_395 = arith.addf %mul3A_385, %mul3A_394 : vector<16xf32>
      %get3A_396 = arith.constant 2 : i32
      %get3A_397 = arith.index_cast %get3A_396 : i32 to index
      %get3A_398 = arith.index_cast %add3A_342 : i32 to index
      %get3A_399 = arith.constant 16 : index
      %get3A_400 = tpu.vector_load %arg6[%get3A_397, %get3A_398, %get3A_399] {strides = array<i32>} : memref<3x128x128xf32, #tpu.memory_space<vmem>>, vector<1x1x16xf32>,
      %get3A_401 = vector.shape_cast %get3A_400 : vector<1x1x16xf32> to vector<16xf32>
      %mul3A_402 = arith.constant 2.73149402E-4 : f32
      %mul3A_403 = vector.broadcast %mul3A_402 : f32 to vector<16xf32>
      %mul3A_404 = arith.mulf %mul3A_403, %get3A_401 : vector<16xf32>
      %add3A_405 = arith.addf %add3A_395, %mul3A_404 : vector<16xf32>
      %swap3A_406 = arith.index_cast %add3A_342 : i32 to index
      %swap3A_407 = arith.constant 16 : index
      %swap3A_408 = tpu.vector_load %arg7[%swap3A_406, %swap3A_407] {strides = array<i32>} : memref<128x62xf32, #tpu.memory_space<vmem>>, vector<1x16xf32>,
      %swap3A_409 = vector.shape_cast %swap3A_408 : vector<1x16xf32> to vector<16xf32>
      %swap3A_410 = vector.shape_cast %add3A_405 : vector<16xf32> to vector<1x16xf32>
      tpu.vector_store %arg7[%swap3A_406, %swap3A_407], %swap3A_410 {strides = array<i32>} : memref<128x62xf32, #tpu.memory_space<vmem>>, vector<1x16xf32>,
      %get3A_411 = arith.constant 0 : i32
      %get3A_412 = arith.index_cast %get3A_411 : i32 to index
      %get3A_413 = arith.index_cast %add3A_342 : i32 to index
      %get3A_414 = arith.constant 32 : index
      %get3A_415 = tpu.vector_load %arg6[%get3A_412, %get3A_413, %get3A_414] {strides = array<i32>} : memref<3x128x128xf32, #tpu.memory_space<vmem>>, vector<1x1x16xf32>,
      %get3A_416 = vector.shape_cast %get3A_415 : vector<1x1x16xf32> to vector<16xf32>
      %mul3A_417 = arith.constant 0.983337879 : f32
      %mul3A_418 = vector.broadcast %mul3A_417 : f32 to vector<16xf32>
      %mul3A_419 = arith.mulf %mul3A_418, %get3A_416 : vector<16xf32>
      %get3A_420 = arith.constant 1 : i32
      %get3A_421 = arith.index_cast %get3A_420 : i32 to index
      %get3A_422 = arith.index_cast %add3A_342 : i32 to index
      %get3A_423 = arith.constant 32 : index
      %get3A_424 = tpu.vector_load %arg6[%get3A_421, %get3A_422, %get3A_423] {strides = array<i32>} : memref<3x128x128xf32, #tpu.memory_space<vmem>>, vector<1x1x16xf32>,
      %get3A_425 = vector.shape_cast %get3A_424 : vector<1x1x16xf32> to vector<16xf32>
      %mul3A_426 = arith.constant 0.0163889639 : f32
      %mul3A_427 = vector.broadcast %mul3A_426 : f32 to vector<16xf32>
      %mul3A_428 = arith.mulf %mul3A_427, %get3A_425 : vector<16xf32>
      %add3A_429 = arith.addf %mul3A_419, %mul3A_428 : vector<16xf32>
      %get3A_430 = arith.constant 2 : i32
      %get3A_431 = arith.index_cast %get3A_430 : i32 to index
      %get3A_432 = arith.index_cast %add3A_342 : i32 to index
      %get3A_433 = arith.constant 32 : index
      %get3A_434 = tpu.vector_load %arg6[%get3A_431, %get3A_432, %get3A_433] {strides = array<i32>} : memref<3x128x128xf32, #tpu.memory_space<vmem>>, vector<1x1x16xf32>,
      %get3A_435 = vector.shape_cast %get3A_434 : vector<1x1x16xf32> to vector<16xf32>
      %mul3A_436 = arith.constant 2.73149402E-4 : f32
      %mul3A_437 = vector.broadcast %mul3A_436 : f32 to vector<16xf32>
      %mul3A_438 = arith.mulf %mul3A_437, %get3A_435 : vector<16xf32>
      %add3A_439 = arith.addf %add3A_429, %mul3A_438 : vector<16xf32>
      %swap3A_440 = arith.index_cast %add3A_342 : i32 to index
      %swap3A_441 = arith.constant 32 : index
      %swap3A_442 = tpu.vector_load %arg7[%swap3A_440, %swap3A_441] {strides = array<i32>} : memref<128x62xf32, #tpu.memory_space<vmem>>, vector<1x16xf32>,
      %swap3A_443 = vector.shape_cast %swap3A_442 : vector<1x16xf32> to vector<16xf32>
      %swap3A_444 = vector.shape_cast %add3A_439 : vector<16xf32> to vector<1x16xf32>
      tpu.vector_store %arg7[%swap3A_440, %swap3A_441], %swap3A_444 {strides = array<i32>} : memref<128x62xf32, #tpu.memory_space<vmem>>, vector<1x16xf32>,
      %get3A_445 = arith.constant 0 : i32
      %get3A_446 = arith.index_cast %get3A_445 : i32 to index
      %get3A_447 = arith.index_cast %add3A_342 : i32 to index
      %get3A_448 = arith.constant 46 : index
      %get3A_449 = tpu.vector_load %arg6[%get3A_446, %get3A_447, %get3A_448] {strides = array<i32>} : memref<3x128x128xf32, #tpu.memory_space<vmem>>, vector<1x1x16xf32>,
      %get3A_450 = vector.shape_cast %get3A_449 : vector<1x1x16xf32> to vector<16xf32>
      %mul3A_451 = arith.constant 0.983337879 : f32
      %mul3A_452 = vector.broadcast %mul3A_451 : f32 to vector<16xf32>
      %mul3A_453 = arith.mulf %mul3A_452, %get3A_450 : vector<16xf32>
      %get3A_454 = arith.constant 1 : i32
      %get3A_455 = arith.index_cast %get3A_454 : i32 to index
      %get3A_456 = arith.index_cast %add3A_342 : i32 to index
      %get3A_457 = arith.constant 46 : index
      %get3A_458 = tpu.vector_load %arg6[%get3A_455, %get3A_456, %get3A_457] {strides = array<i32>} : memref<3x128x128xf32, #tpu.memory_space<vmem>>, vector<1x1x16xf32>,
      %get3A_459 = vector.shape_cast %get3A_458 : vector<1x1x16xf32> to vector<16xf32>
      %mul3A_460 = arith.constant 0.0163889639 : f32
      %mul3A_461 = vector.broadcast %mul3A_460 : f32 to vector<16xf32>
      %mul3A_462 = arith.mulf %mul3A_461, %get3A_459 : vector<16xf32>
      %add3A_463 = arith.addf %mul3A_453, %mul3A_462 : vector<16xf32>
      %get3A_464 = arith.constant 2 : i32
      %get3A_465 = arith.index_cast %get3A_464 : i32 to index
      %get3A_466 = arith.index_cast %add3A_342 : i32 to index
      %get3A_467 = arith.constant 46 : index
      %get3A_468 = tpu.vector_load %arg6[%get3A_465, %get3A_466, %get3A_467] {strides = array<i32>} : memref<3x128x128xf32, #tpu.memory_space<vmem>>, vector<1x1x16xf32>,
      %get3A_469 = vector.shape_cast %get3A_468 : vector<1x1x16xf32> to vector<16xf32>
      %mul3A_470 = arith.constant 2.73149402E-4 : f32
      %mul3A_471 = vector.broadcast %mul3A_470 : f32 to vector<16xf32>
      %mul3A_472 = arith.mulf %mul3A_471, %get3A_469 : vector<16xf32>
      %add3A_473 = arith.addf %add3A_463, %mul3A_472 : vector<16xf32>
      %swap3A_474 = arith.index_cast %add3A_342 : i32 to index
      %swap3A_475 = arith.constant 46 : index
      %swap3A_476 = tpu.vector_load %arg7[%swap3A_474, %swap3A_475] {strides = array<i32>} : memref<128x62xf32, #tpu.memory_space<vmem>>, vector<1x16xf32>,
      %swap3A_477 = vector.shape_cast %swap3A_476 : vector<1x16xf32> to vector<16xf32>
      %swap3A_478 = vector.shape_cast %add3A_473 : vector<16xf32> to vector<1x16xf32>
      tpu.vector_store %arg7[%swap3A_474, %swap3A_475], %swap3A_478 {strides = array<i32>} : memref<128x62xf32, #tpu.memory_space<vmem>>, vector<1x16xf32>,
      %mul3A_479 = arith.constant 4 : i32
      %mul3A_480 = arith.muli %scan3A_200, %mul3A_479 : i32
      %add3A_481 = arith.constant 2 : i32
      %add3A_482 = arith.addi %mul3A_480, %add3A_481 : i32
      %get3A_483 = arith.constant 0 : i32
      %get3A_484 = arith.index_cast %get3A_483 : i32 to index
      %get3A_485 = arith.index_cast %add3A_482 : i32 to index
      %get3A_486 = arith.constant 0 : index
      %get3A_487 = tpu.vector_load %arg6[%get3A_484, %get3A_485, %get3A_486] {strides = array<i32>} : memref<3x128x128xf32, #tpu.memory_space<vmem>>, vector<1x1x16xf32>,
      %get3A_488 = vector.shape_cast %get3A_487 : vector<1x1x16xf32> to vector<16xf32>
      %mul3A_489 = arith.constant 0.983337879 : f32
      %mul3A_490 = vector.broadcast %mul3A_489 : f32 to vector<16xf32>
      %mul3A_491 = arith.mulf %mul3A_490, %get3A_488 : vector<16xf32>
      %get3A_492 = arith.constant 1 : i32
      %get3A_493 = arith.index_cast %get3A_492 : i32 to index
      %get3A_494 = arith.index_cast %add3A_482 : i32 to index
      %get3A_495 = arith.constant 0 : index
      %get3A_496 = tpu.vector_load %arg6[%get3A_493, %get3A_494, %get3A_495] {strides = array<i32>} : memref<3x128x128xf32, #tpu.memory_space<vmem>>, vector<1x1x16xf32>,
      %get3A_497 = vector.shape_cast %get3A_496 : vector<1x1x16xf32> to vector<16xf32>
      %mul3A_498 = arith.constant 0.0163889639 : f32
      %mul3A_499 = vector.broadcast %mul3A_498 : f32 to vector<16xf32>
      %mul3A_500 = arith.mulf %mul3A_499, %get3A_497 : vector<16xf32>
      %add3A_501 = arith.addf %mul3A_491, %mul3A_500 : vector<16xf32>
      %get3A_502 = arith.constant 2 : i32
      %get3A_503 = arith.index_cast %get3A_502 : i32 to index
      %get3A_504 = arith.index_cast %add3A_482 : i32 to index
      %get3A_505 = arith.constant 0 : index
      %get3A_506 = tpu.vector_load %arg6[%get3A_503, %get3A_504, %get3A_505] {strides = array<i32>} : memref<3x128x128xf32, #tpu.memory_space<vmem>>, vector<1x1x16xf32>,
      %get3A_507 = vector.shape_cast %get3A_506 : vector<1x1x16xf32> to vector<16xf32>
      %mul3A_508 = arith.constant 2.73149402E-4 : f32
      %mul3A_509 = vector.broadcast %mul3A_508 : f32 to vector<16xf32>
      %mul3A_510 = arith.mulf %mul3A_509, %get3A_507 : vector<16xf32>
      %add3A_511 = arith.addf %add3A_501, %mul3A_510 : vector<16xf32>
      %swap3A_512 = arith.index_cast %add3A_482 : i32 to index
      %swap3A_513 = arith.constant 0 : index
      %swap3A_514 = tpu.vector_load %arg7[%swap3A_512, %swap3A_513] {strides = array<i32>} : memref<128x62xf32, #tpu.memory_space<vmem>>, vector<1x16xf32>,
      %swap3A_515 = vector.shape_cast %swap3A_514 : vector<1x16xf32> to vector<16xf32>
      %swap3A_516 = vector.shape_cast %add3A_511 : vector<16xf32> to vector<1x16xf32>
      tpu.vector_store %arg7[%swap3A_512, %swap3A_513], %swap3A_516 {strides = array<i32>} : memref<128x62xf32, #tpu.memory_space<vmem>>, vector<1x16xf32>,
      %get3A_517 = arith.constant 0 : i32
      %get3A_518 = arith.index_cast %get3A_517 : i32 to index
      %get3A_519 = arith.index_cast %add3A_482 : i32 to index
      %get3A_520 = arith.constant 16 : index
      %get3A_521 = tpu.vector_load %arg6[%get3A_518, %get3A_519, %get3A_520] {strides = array<i32>} : memref<3x128x128xf32, #tpu.memory_space<vmem>>, vector<1x1x16xf32>,
      %get3A_522 = vector.shape_cast %get3A_521 : vector<1x1x16xf32> to vector<16xf32>
      %mul3A_523 = arith.constant 0.983337879 : f32
      %mul3A_524 = vector.broadcast %mul3A_523 : f32 to vector<16xf32>
      %mul3A_525 = arith.mulf %mul3A_524, %get3A_522 : vector<16xf32>
      %get3A_526 = arith.constant 1 : i32
      %get3A_527 = arith.index_cast %get3A_526 : i32 to index
      %get3A_528 = arith.index_cast %add3A_482 : i32 to index
      %get3A_529 = arith.constant 16 : index
      %get3A_530 = tpu.vector_load %arg6[%get3A_527, %get3A_528, %get3A_529] {strides = array<i32>} : memref<3x128x128xf32, #tpu.memory_space<vmem>>, vector<1x1x16xf32>,
      %get3A_531 = vector.shape_cast %get3A_530 : vector<1x1x16xf32> to vector<16xf32>
      %mul3A_532 = arith.constant 0.0163889639 : f32
      %mul3A_533 = vector.broadcast %mul3A_532 : f32 to vector<16xf32>
      %mul3A_534 = arith.mulf %mul3A_533, %get3A_531 : vector<16xf32>
      %add3A_535 = arith.addf %mul3A_525, %mul3A_534 : vector<16xf32>
      %get3A_536 = arith.constant 2 : i32
      %get3A_537 = arith.index_cast %get3A_536 : i32 to index
      %get3A_538 = arith.index_cast %add3A_482 : i32 to index
      %get3A_539 = arith.constant 16 : index
      %get3A_540 = tpu.vector_load %arg6[%get3A_537, %get3A_538, %get3A_539] {strides = array<i32>} : memref<3x128x128xf32, #tpu.memory_space<vmem>>, vector<1x1x16xf32>,
      %get3A_541 = vector.shape_cast %get3A_540 : vector<1x1x16xf32> to vector<16xf32>
      %mul3A_542 = arith.constant 2.73149402E-4 : f32
      %mul3A_543 = vector.broadcast %mul3A_542 : f32 to vector<16xf32>
      %mul3A_544 = arith.mulf %mul3A_543, %get3A_541 : vector<16xf32>
      %add3A_545 = arith.addf %add3A_535, %mul3A_544 : vector<16xf32>
      %swap3A_546 = arith.index_cast %add3A_482 : i32 to index
      %swap3A_547 = arith.constant 16 : index
      %swap3A_548 = tpu.vector_load %arg7[%swap3A_546, %swap3A_547] {strides = array<i32>} : memref<128x62xf32, #tpu.memory_space<vmem>>, vector<1x16xf32>,
      %swap3A_549 = vector.shape_cast %swap3A_548 : vector<1x16xf32> to vector<16xf32>
      %swap3A_550 = vector.shape_cast %add3A_545 : vector<16xf32> to vector<1x16xf32>
      tpu.vector_store %arg7[%swap3A_546, %swap3A_547], %swap3A_550 {strides = array<i32>} : memref<128x62xf32, #tpu.memory_space<vmem>>, vector<1x16xf32>,
      %get3A_551 = arith.constant 0 : i32
      %get3A_552 = arith.index_cast %get3A_551 : i32 to index
      %get3A_553 = arith.index_cast %add3A_482 : i32 to index
      %get3A_554 = arith.constant 32 : index
      %get3A_555 = tpu.vector_load %arg6[%get3A_552, %get3A_553, %get3A_554] {strides = array<i32>} : memref<3x128x128xf32, #tpu.memory_space<vmem>>, vector<1x1x16xf32>,
      %get3A_556 = vector.shape_cast %get3A_555 : vector<1x1x16xf32> to vector<16xf32>
      %mul3A_557 = arith.constant 0.983337879 : f32
      %mul3A_558 = vector.broadcast %mul3A_557 : f32 to vector<16xf32>
      %mul3A_559 = arith.mulf %mul3A_558, %get3A_556 : vector<16xf32>
      %get3A_560 = arith.constant 1 : i32
      %get3A_561 = arith.index_cast %get3A_560 : i32 to index
      %get3A_562 = arith.index_cast %add3A_482 : i32 to index
      %get3A_563 = arith.constant 32 : index
      %get3A_564 = tpu.vector_load %arg6[%get3A_561, %get3A_562, %get3A_563] {strides = array<i32>} : memref<3x128x128xf32, #tpu.memory_space<vmem>>, vector<1x1x16xf32>,
      %get3A_565 = vector.shape_cast %get3A_564 : vector<1x1x16xf32> to vector<16xf32>
      %mul3A_566 = arith.constant 0.0163889639 : f32
      %mul3A_567 = vector.broadcast %mul3A_566 : f32 to vector<16xf32>
      %mul3A_568 = arith.mulf %mul3A_567, %get3A_565 : vector<16xf32>
      %add3A_569 = arith.addf %mul3A_559, %mul3A_568 : vector<16xf32>
      %get3A_570 = arith.constant 2 : i32
      %get3A_571 = arith.index_cast %get3A_570 : i32 to index
      %get3A_572 = arith.index_cast %add3A_482 : i32 to index
      %get3A_573 = arith.constant 32 : index
      %get3A_574 = tpu.vector_load %arg6[%get3A_571, %get3A_572, %get3A_573] {strides = array<i32>} : memref<3x128x128xf32, #tpu.memory_space<vmem>>, vector<1x1x16xf32>,
      %get3A_575 = vector.shape_cast %get3A_574 : vector<1x1x16xf32> to vector<16xf32>
      %mul3A_576 = arith.constant 2.73149402E-4 : f32
      %mul3A_577 = vector.broadcast %mul3A_576 : f32 to vector<16xf32>
      %mul3A_578 = arith.mulf %mul3A_577, %get3A_575 : vector<16xf32>
      %add3A_579 = arith.addf %add3A_569, %mul3A_578 : vector<16xf32>
      %swap3A_580 = arith.index_cast %add3A_482 : i32 to index
      %swap3A_581 = arith.constant 32 : index
      %swap3A_582 = tpu.vector_load %arg7[%swap3A_580, %swap3A_581] {strides = array<i32>} : memref<128x62xf32, #tpu.memory_space<vmem>>, vector<1x16xf32>,
      %swap3A_583 = vector.shape_cast %swap3A_582 : vector<1x16xf32> to vector<16xf32>
      %swap3A_584 = vector.shape_cast %add3A_579 : vector<16xf32> to vector<1x16xf32>
      tpu.vector_store %arg7[%swap3A_580, %swap3A_581], %swap3A_584 {strides = array<i32>} : memref<128x62xf32, #tpu.memory_space<vmem>>, vector<1x16xf32>,
      %get3A_585 = arith.constant 0 : i32
      %get3A_586 = arith.index_cast %get3A_585 : i32 to index
      %get3A_587 = arith.index_cast %add3A_482 : i32 to index
      %get3A_588 = arith.constant 46 : index
      %get3A_589 = tpu.vector_load %arg6[%get3A_586, %get3A_587, %get3A_588] {strides = array<i32>} : memref<3x128x128xf32, #tpu.memory_space<vmem>>, vector<1x1x16xf32>,
      %get3A_590 = vector.shape_cast %get3A_589 : vector<1x1x16xf32> to vector<16xf32>
      %mul3A_591 = arith.constant 0.983337879 : f32
      %mul3A_592 = vector.broadcast %mul3A_591 : f32 to vector<16xf32>
      %mul3A_593 = arith.mulf %mul3A_592, %get3A_590 : vector<16xf32>
      %get3A_594 = arith.constant 1 : i32
      %get3A_595 = arith.index_cast %get3A_594 : i32 to index
      %get3A_596 = arith.index_cast %add3A_482 : i32 to index
      %get3A_597 = arith.constant 46 : index
      %get3A_598 = tpu.vector_load %arg6[%get3A_595, %get3A_596, %get3A_597] {strides = array<i32>} : memref<3x128x128xf32, #tpu.memory_space<vmem>>, vector<1x1x16xf32>,
      %get3A_599 = vector.shape_cast %get3A_598 : vector<1x1x16xf32> to vector<16xf32>
      %mul3A_600 = arith.constant 0.0163889639 : f32
      %mul3A_601 = vector.broadcast %mul3A_600 : f32 to vector<16xf32>
      %mul3A_602 = arith.mulf %mul3A_601, %get3A_599 : vector<16xf32>
      %add3A_603 = arith.addf %mul3A_593, %mul3A_602 : vector<16xf32>
      %get3A_604 = arith.constant 2 : i32
      %get3A_605 = arith.index_cast %get3A_604 : i32 to index
      %get3A_606 = arith.index_cast %add3A_482 : i32 to index
      %get3A_607 = arith.constant 46 : index
      %get3A_608 = tpu.vector_load %arg6[%get3A_605, %get3A_606, %get3A_607] {strides = array<i32>} : memref<3x128x128xf32, #tpu.memory_space<vmem>>, vector<1x1x16xf32>,
      %get3A_609 = vector.shape_cast %get3A_608 : vector<1x1x16xf32> to vector<16xf32>
      %mul3A_610 = arith.constant 2.73149402E-4 : f32
      %mul3A_611 = vector.broadcast %mul3A_610 : f32 to vector<16xf32>
      %mul3A_612 = arith.mulf %mul3A_611, %get3A_609 : vector<16xf32>
      %add3A_613 = arith.addf %add3A_603, %mul3A_612 : vector<16xf32>
      %swap3A_614 = arith.index_cast %add3A_482 : i32 to index
      %swap3A_615 = arith.constant 46 : index
      %swap3A_616 = tpu.vector_load %arg7[%swap3A_614, %swap3A_615] {strides = array<i32>} : memref<128x62xf32, #tpu.memory_space<vmem>>, vector<1x16xf32>,
      %swap3A_617 = vector.shape_cast %swap3A_616 : vector<1x16xf32> to vector<16xf32>
      %swap3A_618 = vector.shape_cast %add3A_613 : vector<16xf32> to vector<1x16xf32>
      tpu.vector_store %arg7[%swap3A_614, %swap3A_615], %swap3A_618 {strides = array<i32>} : memref<128x62xf32, #tpu.memory_space<vmem>>, vector<1x16xf32>,
      %mul3A_619 = arith.constant 4 : i32
      %mul3A_620 = arith.muli %scan3A_200, %mul3A_619 : i32
      %add3A_621 = arith.constant 3 : i32
      %add3A_622 = arith.addi %mul3A_620, %add3A_621 : i32
      %get3A_623 = arith.constant 0 : i32
      %get3A_624 = arith.index_cast %get3A_623 : i32 to index
      %get3A_625 = arith.index_cast %add3A_622 : i32 to index
      %get3A_626 = arith.constant 0 : index
      %get3A_627 = tpu.vector_load %arg6[%get3A_624, %get3A_625, %get3A_626] {strides = array<i32>} : memref<3x128x128xf32, #tpu.memory_space<vmem>>, vector<1x1x16xf32>,
      %get3A_628 = vector.shape_cast %get3A_627 : vector<1x1x16xf32> to vector<16xf32>
      %mul3A_629 = arith.constant 0.983337879 : f32
      %mul3A_630 = vector.broadcast %mul3A_629 : f32 to vector<16xf32>
      %mul3A_631 = arith.mulf %mul3A_630, %get3A_628 : vector<16xf32>
      %get3A_632 = arith.constant 1 : i32
      %get3A_633 = arith.index_cast %get3A_632 : i32 to index
      %get3A_634 = arith.index_cast %add3A_622 : i32 to index
      %get3A_635 = arith.constant 0 : index
      %get3A_636 = tpu.vector_load %arg6[%get3A_633, %get3A_634, %get3A_635] {strides = array<i32>} : memref<3x128x128xf32, #tpu.memory_space<vmem>>, vector<1x1x16xf32>,
      %get3A_637 = vector.shape_cast %get3A_636 : vector<1x1x16xf32> to vector<16xf32>
      %mul3A_638 = arith.constant 0.0163889639 : f32
      %mul3A_639 = vector.broadcast %mul3A_638 : f32 to vector<16xf32>
      %mul3A_640 = arith.mulf %mul3A_639, %get3A_637 : vector<16xf32>
      %add3A_641 = arith.addf %mul3A_631, %mul3A_640 : vector<16xf32>
      %get3A_642 = arith.constant 2 : i32
      %get3A_643 = arith.index_cast %get3A_642 : i32 to index
      %get3A_644 = arith.index_cast %add3A_622 : i32 to index
      %get3A_645 = arith.constant 0 : index
      %get3A_646 = tpu.vector_load %arg6[%get3A_643, %get3A_644, %get3A_645] {strides = array<i32>} : memref<3x128x128xf32, #tpu.memory_space<vmem>>, vector<1x1x16xf32>,
      %get3A_647 = vector.shape_cast %get3A_646 : vector<1x1x16xf32> to vector<16xf32>
      %mul3A_648 = arith.constant 2.73149402E-4 : f32
      %mul3A_649 = vector.broadcast %mul3A_648 : f32 to vector<16xf32>
      %mul3A_650 = arith.mulf %mul3A_649, %get3A_647 : vector<16xf32>
      %add3A_651 = arith.addf %add3A_641, %mul3A_650 : vector<16xf32>
      %swap3A_652 = arith.index_cast %add3A_622 : i32 to index
      %swap3A_653 = arith.constant 0 : index
      %swap3A_654 = tpu.vector_load %arg7[%swap3A_652, %swap3A_653] {strides = array<i32>} : memref<128x62xf32, #tpu.memory_space<vmem>>, vector<1x16xf32>,
      %swap3A_655 = vector.shape_cast %swap3A_654 : vector<1x16xf32> to vector<16xf32>
      %swap3A_656 = vector.shape_cast %add3A_651 : vector<16xf32> to vector<1x16xf32>
      tpu.vector_store %arg7[%swap3A_652, %swap3A_653], %swap3A_656 {strides = array<i32>} : memref<128x62xf32, #tpu.memory_space<vmem>>, vector<1x16xf32>,
      %get3A_657 = arith.constant 0 : i32
      %get3A_658 = arith.index_cast %get3A_657 : i32 to index
      %get3A_659 = arith.index_cast %add3A_622 : i32 to index
      %get3A_660 = arith.constant 16 : index
      %get3A_661 = tpu.vector_load %arg6[%get3A_658, %get3A_659, %get3A_660] {strides = array<i32>} : memref<3x128x128xf32, #tpu.memory_space<vmem>>, vector<1x1x16xf32>,
      %get3A_662 = vector.shape_cast %get3A_661 : vector<1x1x16xf32> to vector<16xf32>
      %mul3A_663 = arith.constant 0.983337879 : f32
      %mul3A_664 = vector.broadcast %mul3A_663 : f32 to vector<16xf32>
      %mul3A_665 = arith.mulf %mul3A_664, %get3A_662 : vector<16xf32>
      %get3A_666 = arith.constant 1 : i32
      %get3A_667 = arith.index_cast %get3A_666 : i32 to index
      %get3A_668 = arith.index_cast %add3A_622 : i32 to index
      %get3A_669 = arith.constant 16 : index
      %get3A_670 = tpu.vector_load %arg6[%get3A_667, %get3A_668, %get3A_669] {strides = array<i32>} : memref<3x128x128xf32, #tpu.memory_space<vmem>>, vector<1x1x16xf32>,
      %get3A_671 = vector.shape_cast %get3A_670 : vector<1x1x16xf32> to vector<16xf32>
      %mul3A_672 = arith.constant 0.0163889639 : f32
      %mul3A_673 = vector.broadcast %mul3A_672 : f32 to vector<16xf32>
      %mul3A_674 = arith.mulf %mul3A_673, %get3A_671 : vector<16xf32>
      %add3A_675 = arith.addf %mul3A_665, %mul3A_674 : vector<16xf32>
      %get3A_676 = arith.constant 2 : i32
      %get3A_677 = arith.index_cast %get3A_676 : i32 to index
      %get3A_678 = arith.index_cast %add3A_622 : i32 to index
      %get3A_679 = arith.constant 16 : index
      %get3A_680 = tpu.vector_load %arg6[%get3A_677, %get3A_678, %get3A_679] {strides = array<i32>} : memref<3x128x128xf32, #tpu.memory_space<vmem>>, vector<1x1x16xf32>,
      %get3A_681 = vector.shape_cast %get3A_680 : vector<1x1x16xf32> to vector<16xf32>
      %mul3A_682 = arith.constant 2.73149402E-4 : f32
      %mul3A_683 = vector.broadcast %mul3A_682 : f32 to vector<16xf32>
      %mul3A_684 = arith.mulf %mul3A_683, %get3A_681 : vector<16xf32>
      %add3A_685 = arith.addf %add3A_675, %mul3A_684 : vector<16xf32>
      %swap3A_686 = arith.index_cast %add3A_622 : i32 to index
      %swap3A_687 = arith.constant 16 : index
      %swap3A_688 = tpu.vector_load %arg7[%swap3A_686, %swap3A_687] {strides = array<i32>} : memref<128x62xf32, #tpu.memory_space<vmem>>, vector<1x16xf32>,
      %swap3A_689 = vector.shape_cast %swap3A_688 : vector<1x16xf32> to vector<16xf32>
      %swap3A_690 = vector.shape_cast %add3A_685 : vector<16xf32> to vector<1x16xf32>
      tpu.vector_store %arg7[%swap3A_686, %swap3A_687], %swap3A_690 {strides = array<i32>} : memref<128x62xf32, #tpu.memory_space<vmem>>, vector<1x16xf32>,
      %get3A_691 = arith.constant 0 : i32
      %get3A_692 = arith.index_cast %get3A_691 : i32 to index
      %get3A_693 = arith.index_cast %add3A_622 : i32 to index
      %get3A_694 = arith.constant 32 : index
      %get3A_695 = tpu.vector_load %arg6[%get3A_692, %get3A_693, %get3A_694] {strides = array<i32>} : memref<3x128x128xf32, #tpu.memory_space<vmem>>, vector<1x1x16xf32>,
      %get3A_696 = vector.shape_cast %get3A_695 : vector<1x1x16xf32> to vector<16xf32>
      %mul3A_697 = arith.constant 0.983337879 : f32
      %mul3A_698 = vector.broadcast %mul3A_697 : f32 to vector<16xf32>
      %mul3A_699 = arith.mulf %mul3A_698, %get3A_696 : vector<16xf32>
      %get3A_700 = arith.constant 1 : i32
      %get3A_701 = arith.index_cast %get3A_700 : i32 to index
      %get3A_702 = arith.index_cast %add3A_622 : i32 to index
      %get3A_703 = arith.constant 32 : index
      %get3A_704 = tpu.vector_load %arg6[%get3A_701, %get3A_702, %get3A_703] {strides = array<i32>} : memref<3x128x128xf32, #tpu.memory_space<vmem>>, vector<1x1x16xf32>,
      %get3A_705 = vector.shape_cast %get3A_704 : vector<1x1x16xf32> to vector<16xf32>
      %mul3A_706 = arith.constant 0.0163889639 : f32
      %mul3A_707 = vector.broadcast %mul3A_706 : f32 to vector<16xf32>
      %mul3A_708 = arith.mulf %mul3A_707, %get3A_705 : vector<16xf32>
      %add3A_709 = arith.addf %mul3A_699, %mul3A_708 : vector<16xf32>
      %get3A_710 = arith.constant 2 : i32
      %get3A_711 = arith.index_cast %get3A_710 : i32 to index
      %get3A_712 = arith.index_cast %add3A_622 : i32 to index
      %get3A_713 = arith.constant 32 : index
      %get3A_714 = tpu.vector_load %arg6[%get3A_711, %get3A_712, %get3A_713] {strides = array<i32>} : memref<3x128x128xf32, #tpu.memory_space<vmem>>, vector<1x1x16xf32>,
      %get3A_715 = vector.shape_cast %get3A_714 : vector<1x1x16xf32> to vector<16xf32>
      %mul3A_716 = arith.constant 2.73149402E-4 : f32
      %mul3A_717 = vector.broadcast %mul3A_716 : f32 to vector<16xf32>
      %mul3A_718 = arith.mulf %mul3A_717, %get3A_715 : vector<16xf32>
      %add3A_719 = arith.addf %add3A_709, %mul3A_718 : vector<16xf32>
      %swap3A_720 = arith.index_cast %add3A_622 : i32 to index
      %swap3A_721 = arith.constant 32 : index
      %swap3A_722 = tpu.vector_load %arg7[%swap3A_720, %swap3A_721] {strides = array<i32>} : memref<128x62xf32, #tpu.memory_space<vmem>>, vector<1x16xf32>,
      %swap3A_723 = vector.shape_cast %swap3A_722 : vector<1x16xf32> to vector<16xf32>
      %swap3A_724 = vector.shape_cast %add3A_719 : vector<16xf32> to vector<1x16xf32>
      tpu.vector_store %arg7[%swap3A_720, %swap3A_721], %swap3A_724 {strides = array<i32>} : memref<128x62xf32, #tpu.memory_space<vmem>>, vector<1x16xf32>,
      %get3A_725 = arith.constant 0 : i32
      %get3A_726 = arith.index_cast %get3A_725 : i32 to index
      %get3A_727 = arith.index_cast %add3A_622 : i32 to index
      %get3A_728 = arith.constant 46 : index
      %get3A_729 = tpu.vector_load %arg6[%get3A_726, %get3A_727, %get3A_728] {strides = array<i32>} : memref<3x128x128xf32, #tpu.memory_space<vmem>>, vector<1x1x16xf32>,
      %get3A_730 = vector.shape_cast %get3A_729 : vector<1x1x16xf32> to vector<16xf32>
      %mul3A_731 = arith.constant 0.983337879 : f32
      %mul3A_732 = vector.broadcast %mul3A_731 : f32 to vector<16xf32>
      %mul3A_733 = arith.mulf %mul3A_732, %get3A_730 : vector<16xf32>
      %get3A_734 = arith.constant 1 : i32
      %get3A_735 = arith.index_cast %get3A_734 : i32 to index
      %get3A_736 = arith.index_cast %add3A_622 : i32 to index
      %get3A_737 = arith.constant 46 : index
      %get3A_738 = tpu.vector_load %arg6[%get3A_735, %get3A_736, %get3A_737] {strides = array<i32>} : memref<3x128x128xf32, #tpu.memory_space<vmem>>, vector<1x1x16xf32>,
      %get3A_739 = vector.shape_cast %get3A_738 : vector<1x1x16xf32> to vector<16xf32>
      %mul3A_740 = arith.constant 0.0163889639 : f32
      %mul3A_741 = vector.broadcast %mul3A_740 : f32 to vector<16xf32>
      %mul3A_742 = arith.mulf %mul3A_741, %get3A_739 : vector<16xf32>
      %add3A_743 = arith.addf %mul3A_733, %mul3A_742 : vector<16xf32>
      %get3A_744 = arith.constant 2 : i32
      %get3A_745 = arith.index_cast %get3A_744 : i32 to index
      %get3A_746 = arith.index_cast %add3A_622 : i32 to index
      %get3A_747 = arith.constant 46 : index
      %get3A_748 = tpu.vector_load %arg6[%get3A_745, %get3A_746, %get3A_747] {strides = array<i32>} : memref<3x128x128xf32, #tpu.memory_space<vmem>>, vector<1x1x16xf32>,
      %get3A_749 = vector.shape_cast %get3A_748 : vector<1x1x16xf32> to vector<16xf32>
      %mul3A_750 = arith.constant 2.73149402E-4 : f32
      %mul3A_751 = vector.broadcast %mul3A_750 : f32 to vector<16xf32>
      %mul3A_752 = arith.mulf %mul3A_751, %get3A_749 : vector<16xf32>
      %add3A_753 = arith.addf %add3A_743, %mul3A_752 : vector<16xf32>
      %swap3A_754 = arith.index_cast %add3A_622 : i32 to index
      %swap3A_755 = arith.constant 46 : index
      %swap3A_756 = tpu.vector_load %arg7[%swap3A_754, %swap3A_755] {strides = array<i32>} : memref<128x62xf32, #tpu.memory_space<vmem>>, vector<1x16xf32>,
      %swap3A_757 = vector.shape_cast %swap3A_756 : vector<1x16xf32> to vector<16xf32>
      %swap3A_758 = vector.shape_cast %add3A_753 : vector<16xf32> to vector<1x16xf32>
      tpu.vector_store %arg7[%swap3A_754, %swap3A_755], %swap3A_758 {strides = array<i32>} : memref<128x62xf32, #tpu.memory_space<vmem>>, vector<1x16xf32>,
    }
    %scan3A_113 = arith.constant 16 : i32
    %add3A_114 = arith.constant 0 : i32
    %add3A_115 = arith.addi %mul3A_2, %add3A_114 : i32
    %dma_start3A_116 = arith.constant 0 : i32
    %dma_start3A_117 = arith.constant 0 : i32
    %dma_start3A_118 = tpu.memref_slice %arg7[%dma_start3A_116, %dma_start3A_117] : memref<128x62xf32, #tpu.memory_space<vmem>> -> memref<64x62xf32, #tpu.memory_space<vmem>>
    %dma_start3A_119 = arith.constant 0 : i32
    %dma_start3A_120 = tpu.memref_slice %arg4[%add3A_115, %dma_start3A_119] : memref<4096x62xf32, #tpu.memory_space<hbm>> -> memref<64x62xf32, #tpu.memory_space<hbm>>
    %dma_start3A_121 = arith.constant 0 : i32
    %dma_start3A_122 = tpu.memref_slice %arg4[%add3A_115, %dma_start3A_121] : memref<4096x62xf32, #tpu.memory_space<hbm>> -> memref<64x62xf32, #tpu.memory_space<hbm>>
    %dma_start3A_123 = arith.constant 0 : i32
    %dma_start3A_124 = arith.constant 0 : i32
    %dma_start3A_125 = tpu.memref_slice %arg7[%dma_start3A_123, %dma_start3A_124] : memref<128x62xf32, #tpu.memory_space<vmem>> -> memref<64x62xf32, #tpu.memory_space<vmem>>
    tpu.enqueue_dma source(%dma_start3A_125 : memref<64x62xf32, #tpu.memory_space<vmem>>) target(%dma_start3A_122 : memref<64x62xf32, #tpu.memory_space<hbm>>) target_semaphore(%arg10 : memref<!tpu.dma_semaphore, #tpu.memory_space<semaphore_mem>>)
    %dma_wait3A_126 = arith.constant 0 : i32
    %dma_wait3A_127 = arith.constant 0 : i32
    %dma_wait3A_128 = arith.constant 64 : i32
    %dma_wait3A_129 = arith.constant 0 : i32
    %dma_wait3A_130 = tpu.memref_slice %arg6[%dma_wait3A_127, %dma_wait3A_128, %dma_wait3A_129] : memref<3x128x128xf32, #tpu.memory_space<vmem>> -> memref<1x64x128xf32, #tpu.memory_space<vmem>>
    %dma_wait3A_131 = tpu.memref_squeeze %dma_wait3A_130 : memref<1x64x128xf32, #tpu.memory_space<vmem>> -> memref<64x128xf32, #tpu.memory_space<vmem>>
    %dma_wait3A_132 = arith.constant 64 : i32
    %dma_wait3A_133 = tpu.memref_slice %arg5[%dma_wait3A_126, %dma_wait3A_132] : memref<3x128xi32, #tpu.memory_space<vmem>> -> memref<1x64xi32, #tpu.memory_space<vmem>>
    %dma_wait3A_134 = tpu.memref_squeeze %dma_wait3A_133 : memref<1x64xi32, #tpu.memory_space<vmem>> -> memref<64xi32, #tpu.memory_space<vmem>>
    %dma_wait3A_135 = arith.constant 0 : i32
    %dma_wait3A_136 = arith.constant 0 : i32
    %dma_wait3A_137 = tpu.memref_slice %arg3[%dma_wait3A_135, %dma_wait3A_136] : memref<3000x128xf32, #tpu.memory_space<hbm>> -> memref<3000x128xf32, #tpu.memory_space<hbm>>
    tpu.wait_indirect_dma semaphore(%arg9 : memref<!tpu.dma_semaphore, #tpu.memory_space<semaphore_mem>>) src(%dma_wait3A_137 : memref<3000x128xf32, #tpu.memory_space<hbm>>) dst(%dma_wait3A_131 : memref<64x128xf32, #tpu.memory_space<vmem>>)
    %dma_wait3A_138 = arith.constant 1 : i32
    %dma_wait3A_139 = arith.constant 1 : i32
    %dma_wait3A_140 = arith.constant 64 : i32
    %dma_wait3A_141 = arith.constant 0 : i32
    %dma_wait3A_142 = tpu.memref_slice %arg6[%dma_wait3A_139, %dma_wait3A_140, %dma_wait3A_141] : memref<3x128x128xf32, #tpu.memory_space<vmem>> -> memref<1x64x128xf32, #tpu.memory_space<vmem>>
    %dma_wait3A_143 = tpu.memref_squeeze %dma_wait3A_142 : memref<1x64x128xf32, #tpu.memory_space<vmem>> -> memref<64x128xf32, #tpu.memory_space<vmem>>
    %dma_wait3A_144 = arith.constant 64 : i32
    %dma_wait3A_145 = tpu.memref_slice %arg5[%dma_wait3A_138, %dma_wait3A_144] : memref<3x128xi32, #tpu.memory_space<vmem>> -> memref<1x64xi32, #tpu.memory_space<vmem>>
    %dma_wait3A_146 = tpu.memref_squeeze %dma_wait3A_145 : memref<1x64xi32, #tpu.memory_space<vmem>> -> memref<64xi32, #tpu.memory_space<vmem>>
    %dma_wait3A_147 = arith.constant 0 : i32
    %dma_wait3A_148 = arith.constant 0 : i32
    %dma_wait3A_149 = tpu.memref_slice %arg3[%dma_wait3A_147, %dma_wait3A_148] : memref<3000x128xf32, #tpu.memory_space<hbm>> -> memref<3000x128xf32, #tpu.memory_space<hbm>>
    tpu.wait_indirect_dma semaphore(%arg9 : memref<!tpu.dma_semaphore, #tpu.memory_space<semaphore_mem>>) src(%dma_wait3A_149 : memref<3000x128xf32, #tpu.memory_space<hbm>>) dst(%dma_wait3A_143 : memref<64x128xf32, #tpu.memory_space<vmem>>)
    %dma_wait3A_150 = arith.constant 2 : i32
    %dma_wait3A_151 = arith.constant 2 : i32
    %dma_wait3A_152 = arith.constant 64 : i32
    %dma_wait3A_153 = arith.constant 0 : i32
    %dma_wait3A_154 = tpu.memref_slice %arg6[%dma_wait3A_151, %dma_wait3A_152, %dma_wait3A_153] : memref<3x128x128xf32, #tpu.memory_space<vmem>> -> memref<1x64x128xf32, #tpu.memory_space<vmem>>
    %dma_wait3A_155 = tpu.memref_squeeze %dma_wait3A_154 : memref<1x64x128xf32, #tpu.memory_space<vmem>> -> memref<64x128xf32, #tpu.memory_space<vmem>>
    %dma_wait3A_156 = arith.constant 64 : i32
    %dma_wait3A_157 = tpu.memref_slice %arg5[%dma_wait3A_150, %dma_wait3A_156] : memref<3x128xi32, #tpu.memory_space<vmem>> -> memref<1x64xi32, #tpu.memory_space<vmem>>
    %dma_wait3A_158 = tpu.memref_squeeze %dma_wait3A_157 : memref<1x64xi32, #tpu.memory_space<vmem>> -> memref<64xi32, #tpu.memory_space<vmem>>
    %dma_wait3A_159 = arith.constant 0 : i32
    %dma_wait3A_160 = arith.constant 0 : i32
    %dma_wait3A_161 = tpu.memref_slice %arg3[%dma_wait3A_159, %dma_wait3A_160] : memref<3000x128xf32, #tpu.memory_space<hbm>> -> memref<3000x128xf32, #tpu.memory_space<hbm>>
    tpu.wait_indirect_dma semaphore(%arg9 : memref<!tpu.dma_semaphore, #tpu.memory_space<semaphore_mem>>) src(%dma_wait3A_161 : memref<3000x128xf32, #tpu.memory_space<hbm>>) dst(%dma_wait3A_155 : memref<64x128xf32, #tpu.memory_space<vmem>>)
    %scan3A_162 = arith.constant 0 : i32
    %scan3A_163 = arith.constant 16 : i32
    %scan3A_164 = arith.constant 16 : i32
    %scan3A_165 = arith.addi %scan3A_163, %scan3A_164 : i32
    %scan3A_166 = arith.constant 1 : i32
    scf.for %scan3A_200 = %scan3A_163 to %scan3A_165 step %scan3A_166  : i32 {
      %mul3A_201 = arith.constant 4 : i32
      %mul3A_202 = arith.muli %scan3A_200, %mul3A_201 : i32
      %add3A_203 = arith.constant 0 : i32
      %add3A_204 = arith.addi %mul3A_202, %add3A_203 : i32
      %get3A = arith.constant 0 : i32
      %get3A_205 = arith.index_cast %get3A : i32 to index
      %get3A_206 = arith.index_cast %add3A_204 : i32 to index
      %get3A_207 = arith.constant 0 : index
      %get3A_208 = tpu.vector_load %arg6[%get3A_205, %get3A_206, %get3A_207] {strides = array<i32>} : memref<3x128x128xf32, #tpu.memory_space<vmem>>, vector<1x1x16xf32>,
      %get3A_209 = vector.shape_cast %get3A_208 : vector<1x1x16xf32> to vector<16xf32>
      %mul3A_210 = arith.constant 0.983337879 : f32
      %mul3A_211 = vector.broadcast %mul3A_210 : f32 to vector<16xf32>
      %mul3A_212 = arith.mulf %mul3A_211, %get3A_209 : vector<16xf32>
      %get3A_213 = arith.constant 1 : i32
      %get3A_214 = arith.index_cast %get3A_213 : i32 to index
      %get3A_215 = arith.index_cast %add3A_204 : i32 to index
      %get3A_216 = arith.constant 0 : index
      %get3A_217 = tpu.vector_load %arg6[%get3A_214, %get3A_215, %get3A_216] {strides = array<i32>} : memref<3x128x128xf32, #tpu.memory_space<vmem>>, vector<1x1x16xf32>,
      %get3A_218 = vector.shape_cast %get3A_217 : vector<1x1x16xf32> to vector<16xf32>
      %mul3A_219 = arith.constant 0.0163889639 : f32
      %mul3A_220 = vector.broadcast %mul3A_219 : f32 to vector<16xf32>
      %mul3A_221 = arith.mulf %mul3A_220, %get3A_218 : vector<16xf32>
      %add3A_222 = arith.addf %mul3A_212, %mul3A_221 : vector<16xf32>
      %get3A_223 = arith.constant 2 : i32
      %get3A_224 = arith.index_cast %get3A_223 : i32 to index
      %get3A_225 = arith.index_cast %add3A_204 : i32 to index
      %get3A_226 = arith.constant 0 : index
      %get3A_227 = tpu.vector_load %arg6[%get3A_224, %get3A_225, %get3A_226] {strides = array<i32>} : memref<3x128x128xf32, #tpu.memory_space<vmem>>, vector<1x1x16xf32>,
      %get3A_228 = vector.shape_cast %get3A_227 : vector<1x1x16xf32> to vector<16xf32>
      %mul3A_229 = arith.constant 2.73149402E-4 : f32
      %mul3A_230 = vector.broadcast %mul3A_229 : f32 to vector<16xf32>
      %mul3A_231 = arith.mulf %mul3A_230, %get3A_228 : vector<16xf32>
      %add3A_232 = arith.addf %add3A_222, %mul3A_231 : vector<16xf32>
      %swap3A = arith.index_cast %add3A_204 : i32 to index
      %swap3A_233 = arith.constant 0 : index
      %swap3A_234 = tpu.vector_load %arg7[%swap3A, %swap3A_233] {strides = array<i32>} : memref<128x62xf32, #tpu.memory_space<vmem>>, vector<1x16xf32>,
      %swap3A_235 = vector.shape_cast %swap3A_234 : vector<1x16xf32> to vector<16xf32>
      %swap3A_236 = vector.shape_cast %add3A_232 : vector<16xf32> to vector<1x16xf32>
      tpu.vector_store %arg7[%swap3A, %swap3A_233], %swap3A_236 {strides = array<i32>} : memref<128x62xf32, #tpu.memory_space<vmem>>, vector<1x16xf32>,
      %get3A_237 = arith.constant 0 : i32
      %get3A_238 = arith.index_cast %get3A_237 : i32 to index
      %get3A_239 = arith.index_cast %add3A_204 : i32 to index
      %get3A_240 = arith.constant 16 : index
      %get3A_241 = tpu.vector_load %arg6[%get3A_238, %get3A_239, %get3A_240] {strides = array<i32>} : memref<3x128x128xf32, #tpu.memory_space<vmem>>, vector<1x1x16xf32>,
      %get3A_242 = vector.shape_cast %get3A_241 : vector<1x1x16xf32> to vector<16xf32>
      %mul3A_243 = arith.constant 0.983337879 : f32
      %mul3A_244 = vector.broadcast %mul3A_243 : f32 to vector<16xf32>
      %mul3A_245 = arith.mulf %mul3A_244, %get3A_242 : vector<16xf32>
      %get3A_246 = arith.constant 1 : i32
      %get3A_247 = arith.index_cast %get3A_246 : i32 to index
      %get3A_248 = arith.index_cast %add3A_204 : i32 to index
      %get3A_249 = arith.constant 16 : index
      %get3A_250 = tpu.vector_load %arg6[%get3A_247, %get3A_248, %get3A_249] {strides = array<i32>} : memref<3x128x128xf32, #tpu.memory_space<vmem>>, vector<1x1x16xf32>,
      %get3A_251 = vector.shape_cast %get3A_250 : vector<1x1x16xf32> to vector<16xf32>
      %mul3A_252 = arith.constant 0.0163889639 : f32
      %mul3A_253 = vector.broadcast %mul3A_252 : f32 to vector<16xf32>
      %mul3A_254 = arith.mulf %mul3A_253, %get3A_251 : vector<16xf32>
      %add3A_255 = arith.addf %mul3A_245, %mul3A_254 : vector<16xf32>
      %get3A_256 = arith.constant 2 : i32
      %get3A_257 = arith.index_cast %get3A_256 : i32 to index
      %get3A_258 = arith.index_cast %add3A_204 : i32 to index
      %get3A_259 = arith.constant 16 : index
      %get3A_260 = tpu.vector_load %arg6[%get3A_257, %get3A_258, %get3A_259] {strides = array<i32>} : memref<3x128x128xf32, #tpu.memory_space<vmem>>, vector<1x1x16xf32>,
      %get3A_261 = vector.shape_cast %get3A_260 : vector<1x1x16xf32> to vector<16xf32>
      %mul3A_262 = arith.constant 2.73149402E-4 : f32
      %mul3A_263 = vector.broadcast %mul3A_262 : f32 to vector<16xf32>
      %mul3A_264 = arith.mulf %mul3A_263, %get3A_261 : vector<16xf32>
      %add3A_265 = arith.addf %add3A_255, %mul3A_264 : vector<16xf32>
      %swap3A_266 = arith.index_cast %add3A_204 : i32 to index
      %swap3A_267 = arith.constant 16 : index
      %swap3A_268 = tpu.vector_load %arg7[%swap3A_266, %swap3A_267] {strides = array<i32>} : memref<128x62xf32, #tpu.memory_space<vmem>>, vector<1x16xf32>,
      %swap3A_269 = vector.shape_cast %swap3A_268 : vector<1x16xf32> to vector<16xf32>
      %swap3A_270 = vector.shape_cast %add3A_265 : vector<16xf32> to vector<1x16xf32>
      tpu.vector_store %arg7[%swap3A_266, %swap3A_267], %swap3A_270 {strides = array<i32>} : memref<128x62xf32, #tpu.memory_space<vmem>>, vector<1x16xf32>,
      %get3A_271 = arith.constant 0 : i32
      %get3A_272 = arith.index_cast %get3A_271 : i32 to index
      %get3A_273 = arith.index_cast %add3A_204 : i32 to index
      %get3A_274 = arith.constant 32 : index
      %get3A_275 = tpu.vector_load %arg6[%get3A_272, %get3A_273, %get3A_274] {strides = array<i32>} : memref<3x128x128xf32, #tpu.memory_space<vmem>>, vector<1x1x16xf32>,
      %get3A_276 = vector.shape_cast %get3A_275 : vector<1x1x16xf32> to vector<16xf32>
      %mul3A_277 = arith.constant 0.983337879 : f32
      %mul3A_278 = vector.broadcast %mul3A_277 : f32 to vector<16xf32>
      %mul3A_279 = arith.mulf %mul3A_278, %get3A_276 : vector<16xf32>
      %get3A_280 = arith.constant 1 : i32
      %get3A_281 = arith.index_cast %get3A_280 : i32 to index
      %get3A_282 = arith.index_cast %add3A_204 : i32 to index
      %get3A_283 = arith.constant 32 : index
      %get3A_284 = tpu.vector_load %arg6[%get3A_281, %get3A_282, %get3A_283] {strides = array<i32>} : memref<3x128x128xf32, #tpu.memory_space<vmem>>, vector<1x1x16xf32>,
      %get3A_285 = vector.shape_cast %get3A_284 : vector<1x1x16xf32> to vector<16xf32>
      %mul3A_286 = arith.constant 0.0163889639 : f32
      %mul3A_287 = vector.broadcast %mul3A_286 : f32 to vector<16xf32>
      %mul3A_288 = arith.mulf %mul3A_287, %get3A_285 : vector<16xf32>
      %add3A_289 = arith.addf %mul3A_279, %mul3A_288 : vector<16xf32>
      %get3A_290 = arith.constant 2 : i32
      %get3A_291 = arith.index_cast %get3A_290 : i32 to index
      %get3A_292 = arith.index_cast %add3A_204 : i32 to index
      %get3A_293 = arith.constant 32 : index
      %get3A_294 = tpu.vector_load %arg6[%get3A_291, %get3A_292, %get3A_293] {strides = array<i32>} : memref<3x128x128xf32, #tpu.memory_space<vmem>>, vector<1x1x16xf32>,
      %get3A_295 = vector.shape_cast %get3A_294 : vector<1x1x16xf32> to vector<16xf32>
      %mul3A_296 = arith.constant 2.73149402E-4 : f32
      %mul3A_297 = vector.broadcast %mul3A_296 : f32 to vector<16xf32>
      %mul3A_298 = arith.mulf %mul3A_297, %get3A_295 : vector<16xf32>
      %add3A_299 = arith.addf %add3A_289, %mul3A_298 : vector<16xf32>
      %swap3A_300 = arith.index_cast %add3A_204 : i32 to index
      %swap3A_301 = arith.constant 32 : index
      %swap3A_302 = tpu.vector_load %arg7[%swap3A_300, %swap3A_301] {strides = array<i32>} : memref<128x62xf32, #tpu.memory_space<vmem>>, vector<1x16xf32>,
      %swap3A_303 = vector.shape_cast %swap3A_302 : vector<1x16xf32> to vector<16xf32>
      %swap3A_304 = vector.shape_cast %add3A_299 : vector<16xf32> to vector<1x16xf32>
      tpu.vector_store %arg7[%swap3A_300, %swap3A_301], %swap3A_304 {strides = array<i32>} : memref<128x62xf32, #tpu.memory_space<vmem>>, vector<1x16xf32>,
      %get3A_305 = arith.constant 0 : i32
      %get3A_306 = arith.index_cast %get3A_305 : i32 to index
      %get3A_307 = arith.index_cast %add3A_204 : i32 to index
      %get3A_308 = arith.constant 46 : index
      %get3A_309 = tpu.vector_load %arg6[%get3A_306, %get3A_307, %get3A_308] {strides = array<i32>} : memref<3x128x128xf32, #tpu.memory_space<vmem>>, vector<1x1x16xf32>,
      %get3A_310 = vector.shape_cast %get3A_309 : vector<1x1x16xf32> to vector<16xf32>
      %mul3A_311 = arith.constant 0.983337879 : f32
      %mul3A_312 = vector.broadcast %mul3A_311 : f32 to vector<16xf32>
      %mul3A_313 = arith.mulf %mul3A_312, %get3A_310 : vector<16xf32>
      %get3A_314 = arith.constant 1 : i32
      %get3A_315 = arith.index_cast %get3A_314 : i32 to index
      %get3A_316 = arith.index_cast %add3A_204 : i32 to index
      %get3A_317 = arith.constant 46 : index
      %get3A_318 = tpu.vector_load %arg6[%get3A_315, %get3A_316, %get3A_317] {strides = array<i32>} : memref<3x128x128xf32, #tpu.memory_space<vmem>>, vector<1x1x16xf32>,
      %get3A_319 = vector.shape_cast %get3A_318 : vector<1x1x16xf32> to vector<16xf32>
      %mul3A_320 = arith.constant 0.0163889639 : f32
      %mul3A_321 = vector.broadcast %mul3A_320 : f32 to vector<16xf32>
      %mul3A_322 = arith.mulf %mul3A_321, %get3A_319 : vector<16xf32>
      %add3A_323 = arith.addf %mul3A_313, %mul3A_322 : vector<16xf32>
      %get3A_324 = arith.constant 2 : i32
      %get3A_325 = arith.index_cast %get3A_324 : i32 to index
      %get3A_326 = arith.index_cast %add3A_204 : i32 to index
      %get3A_327 = arith.constant 46 : index
      %get3A_328 = tpu.vector_load %arg6[%get3A_325, %get3A_326, %get3A_327] {strides = array<i32>} : memref<3x128x128xf32, #tpu.memory_space<vmem>>, vector<1x1x16xf32>,
      %get3A_329 = vector.shape_cast %get3A_328 : vector<1x1x16xf32> to vector<16xf32>
      %mul3A_330 = arith.constant 2.73149402E-4 : f32
      %mul3A_331 = vector.broadcast %mul3A_330 : f32 to vector<16xf32>
      %mul3A_332 = arith.mulf %mul3A_331, %get3A_329 : vector<16xf32>
      %add3A_333 = arith.addf %add3A_323, %mul3A_332 : vector<16xf32>
      %swap3A_334 = arith.index_cast %add3A_204 : i32 to index
      %swap3A_335 = arith.constant 46 : index
      %swap3A_336 = tpu.vector_load %arg7[%swap3A_334, %swap3A_335] {strides = array<i32>} : memref<128x62xf32, #tpu.memory_space<vmem>>, vector<1x16xf32>,
      %swap3A_337 = vector.shape_cast %swap3A_336 : vector<1x16xf32> to vector<16xf32>
      %swap3A_338 = vector.shape_cast %add3A_333 : vector<16xf32> to vector<1x16xf32>
      tpu.vector_store %arg7[%swap3A_334, %swap3A_335], %swap3A_338 {strides = array<i32>} : memref<128x62xf32, #tpu.memory_space<vmem>>, vector<1x16xf32>,
      %mul3A_339 = arith.constant 4 : i32
      %mul3A_340 = arith.muli %scan3A_200, %mul3A_339 : i32
      %add3A_341 = arith.constant 1 : i32
      %add3A_342 = arith.addi %mul3A_340, %add3A_341 : i32
      %get3A_343 = arith.constant 0 : i32
      %get3A_344 = arith.index_cast %get3A_343 : i32 to index
      %get3A_345 = arith.index_cast %add3A_342 : i32 to index
      %get3A_346 = arith.constant 0 : index
      %get3A_347 = tpu.vector_load %arg6[%get3A_344, %get3A_345, %get3A_346] {strides = array<i32>} : memref<3x128x128xf32, #tpu.memory_space<vmem>>, vector<1x1x16xf32>,
      %get3A_348 = vector.shape_cast %get3A_347 : vector<1x1x16xf32> to vector<16xf32>
      %mul3A_349 = arith.constant 0.983337879 : f32
      %mul3A_350 = vector.broadcast %mul3A_349 : f32 to vector<16xf32>
      %mul3A_351 = arith.mulf %mul3A_350, %get3A_348 : vector<16xf32>
      %get3A_352 = arith.constant 1 : i32
      %get3A_353 = arith.index_cast %get3A_352 : i32 to index
      %get3A_354 = arith.index_cast %add3A_342 : i32 to index
      %get3A_355 = arith.constant 0 : index
      %get3A_356 = tpu.vector_load %arg6[%get3A_353, %get3A_354, %get3A_355] {strides = array<i32>} : memref<3x128x128xf32, #tpu.memory_space<vmem>>, vector<1x1x16xf32>,
      %get3A_357 = vector.shape_cast %get3A_356 : vector<1x1x16xf32> to vector<16xf32>
      %mul3A_358 = arith.constant 0.0163889639 : f32
      %mul3A_359 = vector.broadcast %mul3A_358 : f32 to vector<16xf32>
      %mul3A_360 = arith.mulf %mul3A_359, %get3A_357 : vector<16xf32>
      %add3A_361 = arith.addf %mul3A_351, %mul3A_360 : vector<16xf32>
      %get3A_362 = arith.constant 2 : i32
      %get3A_363 = arith.index_cast %get3A_362 : i32 to index
      %get3A_364 = arith.index_cast %add3A_342 : i32 to index
      %get3A_365 = arith.constant 0 : index
      %get3A_366 = tpu.vector_load %arg6[%get3A_363, %get3A_364, %get3A_365] {strides = array<i32>} : memref<3x128x128xf32, #tpu.memory_space<vmem>>, vector<1x1x16xf32>,
      %get3A_367 = vector.shape_cast %get3A_366 : vector<1x1x16xf32> to vector<16xf32>
      %mul3A_368 = arith.constant 2.73149402E-4 : f32
      %mul3A_369 = vector.broadcast %mul3A_368 : f32 to vector<16xf32>
      %mul3A_370 = arith.mulf %mul3A_369, %get3A_367 : vector<16xf32>
      %add3A_371 = arith.addf %add3A_361, %mul3A_370 : vector<16xf32>
      %swap3A_372 = arith.index_cast %add3A_342 : i32 to index
      %swap3A_373 = arith.constant 0 : index
      %swap3A_374 = tpu.vector_load %arg7[%swap3A_372, %swap3A_373] {strides = array<i32>} : memref<128x62xf32, #tpu.memory_space<vmem>>, vector<1x16xf32>,
      %swap3A_375 = vector.shape_cast %swap3A_374 : vector<1x16xf32> to vector<16xf32>
      %swap3A_376 = vector.shape_cast %add3A_371 : vector<16xf32> to vector<1x16xf32>
      tpu.vector_store %arg7[%swap3A_372, %swap3A_373], %swap3A_376 {strides = array<i32>} : memref<128x62xf32, #tpu.memory_space<vmem>>, vector<1x16xf32>,
      %get3A_377 = arith.constant 0 : i32
      %get3A_378 = arith.index_cast %get3A_377 : i32 to index
      %get3A_379 = arith.index_cast %add3A_342 : i32 to index
      %get3A_380 = arith.constant 16 : index
      %get3A_381 = tpu.vector_load %arg6[%get3A_378, %get3A_379, %get3A_380] {strides = array<i32>} : memref<3x128x128xf32, #tpu.memory_space<vmem>>, vector<1x1x16xf32>,
      %get3A_382 = vector.shape_cast %get3A_381 : vector<1x1x16xf32> to vector<16xf32>
      %mul3A_383 = arith.constant 0.983337879 : f32
      %mul3A_384 = vector.broadcast %mul3A_383 : f32 to vector<16xf32>
      %mul3A_385 = arith.mulf %mul3A_384, %get3A_382 : vector<16xf32>
      %get3A_386 = arith.constant 1 : i32
      %get3A_387 = arith.index_cast %get3A_386 : i32 to index
      %get3A_388 = arith.index_cast %add3A_342 : i32 to index
      %get3A_389 = arith.constant 16 : index
      %get3A_390 = tpu.vector_load %arg6[%get3A_387, %get3A_388, %get3A_389] {strides = array<i32>} : memref<3x128x128xf32, #tpu.memory_space<vmem>>, vector<1x1x16xf32>,
      %get3A_391 = vector.shape_cast %get3A_390 : vector<1x1x16xf32> to vector<16xf32>
      %mul3A_392 = arith.constant 0.0163889639 : f32
      %mul3A_393 = vector.broadcast %mul3A_392 : f32 to vector<16xf32>
      %mul3A_394 = arith.mulf %mul3A_393, %get3A_391 : vector<16xf32>
      %add3A_395 = arith.addf %mul3A_385, %mul3A_394 : vector<16xf32>
      %get3A_396 = arith.constant 2 : i32
      %get3A_397 = arith.index_cast %get3A_396 : i32 to index
      %get3A_398 = arith.index_cast %add3A_342 : i32 to index
      %get3A_399 = arith.constant 16 : index
      %get3A_400 = tpu.vector_load %arg6[%get3A_397, %get3A_398, %get3A_399] {strides = array<i32>} : memref<3x128x128xf32, #tpu.memory_space<vmem>>, vector<1x1x16xf32>,
      %get3A_401 = vector.shape_cast %get3A_400 : vector<1x1x16xf32> to vector<16xf32>
      %mul3A_402 = arith.constant 2.73149402E-4 : f32
      %mul3A_403 = vector.broadcast %mul3A_402 : f32 to vector<16xf32>
      %mul3A_404 = arith.mulf %mul3A_403, %get3A_401 : vector<16xf32>
      %add3A_405 = arith.addf %add3A_395, %mul3A_404 : vector<16xf32>
      %swap3A_406 = arith.index_cast %add3A_342 : i32 to index
      %swap3A_407 = arith.constant 16 : index
      %swap3A_408 = tpu.vector_load %arg7[%swap3A_406, %swap3A_407] {strides = array<i32>} : memref<128x62xf32, #tpu.memory_space<vmem>>, vector<1x16xf32>,
      %swap3A_409 = vector.shape_cast %swap3A_408 : vector<1x16xf32> to vector<16xf32>
      %swap3A_410 = vector.shape_cast %add3A_405 : vector<16xf32> to vector<1x16xf32>
      tpu.vector_store %arg7[%swap3A_406, %swap3A_407], %swap3A_410 {strides = array<i32>} : memref<128x62xf32, #tpu.memory_space<vmem>>, vector<1x16xf32>,
      %get3A_411 = arith.constant 0 : i32
      %get3A_412 = arith.index_cast %get3A_411 : i32 to index
      %get3A_413 = arith.index_cast %add3A_342 : i32 to index
      %get3A_414 = arith.constant 32 : index
      %get3A_415 = tpu.vector_load %arg6[%get3A_412, %get3A_413, %get3A_414] {strides = array<i32>} : memref<3x128x128xf32, #tpu.memory_space<vmem>>, vector<1x1x16xf32>,
      %get3A_416 = vector.shape_cast %get3A_415 : vector<1x1x16xf32> to vector<16xf32>
      %mul3A_417 = arith.constant 0.983337879 : f32
      %mul3A_418 = vector.broadcast %mul3A_417 : f32 to vector<16xf32>
      %mul3A_419 = arith.mulf %mul3A_418, %get3A_416 : vector<16xf32>
      %get3A_420 = arith.constant 1 : i32
      %get3A_421 = arith.index_cast %get3A_420 : i32 to index
      %get3A_422 = arith.index_cast %add3A_342 : i32 to index
      %get3A_423 = arith.constant 32 : index
      %get3A_424 = tpu.vector_load %arg6[%get3A_421, %get3A_422, %get3A_423] {strides = array<i32>} : memref<3x128x128xf32, #tpu.memory_space<vmem>>, vector<1x1x16xf32>,
      %get3A_425 = vector.shape_cast %get3A_424 : vector<1x1x16xf32> to vector<16xf32>
      %mul3A_426 = arith.constant 0.0163889639 : f32
      %mul3A_427 = vector.broadcast %mul3A_426 : f32 to vector<16xf32>
      %mul3A_428 = arith.mulf %mul3A_427, %get3A_425 : vector<16xf32>
      %add3A_429 = arith.addf %mul3A_419, %mul3A_428 : vector<16xf32>
      %get3A_430 = arith.constant 2 : i32
      %get3A_431 = arith.index_cast %get3A_430 : i32 to index
      %get3A_432 = arith.index_cast %add3A_342 : i32 to index
      %get3A_433 = arith.constant 32 : index
      %get3A_434 = tpu.vector_load %arg6[%get3A_431, %get3A_432, %get3A_433] {strides = array<i32>} : memref<3x128x128xf32, #tpu.memory_space<vmem>>, vector<1x1x16xf32>,
      %get3A_435 = vector.shape_cast %get3A_434 : vector<1x1x16xf32> to vector<16xf32>
      %mul3A_436 = arith.constant 2.73149402E-4 : f32
      %mul3A_437 = vector.broadcast %mul3A_436 : f32 to vector<16xf32>
      %mul3A_438 = arith.mulf %mul3A_437, %get3A_435 : vector<16xf32>
      %add3A_439 = arith.addf %add3A_429, %mul3A_438 : vector<16xf32>
      %swap3A_440 = arith.index_cast %add3A_342 : i32 to index
      %swap3A_441 = arith.constant 32 : index
      %swap3A_442 = tpu.vector_load %arg7[%swap3A_440, %swap3A_441] {strides = array<i32>} : memref<128x62xf32, #tpu.memory_space<vmem>>, vector<1x16xf32>,
      %swap3A_443 = vector.shape_cast %swap3A_442 : vector<1x16xf32> to vector<16xf32>
      %swap3A_444 = vector.shape_cast %add3A_439 : vector<16xf32> to vector<1x16xf32>
      tpu.vector_store %arg7[%swap3A_440, %swap3A_441], %swap3A_444 {strides = array<i32>} : memref<128x62xf32, #tpu.memory_space<vmem>>, vector<1x16xf32>,
      %get3A_445 = arith.constant 0 : i32
      %get3A_446 = arith.index_cast %get3A_445 : i32 to index
      %get3A_447 = arith.index_cast %add3A_342 : i32 to index
      %get3A_448 = arith.constant 46 : index
      %get3A_449 = tpu.vector_load %arg6[%get3A_446, %get3A_447, %get3A_448] {strides = array<i32>} : memref<3x128x128xf32, #tpu.memory_space<vmem>>, vector<1x1x16xf32>,
      %get3A_450 = vector.shape_cast %get3A_449 : vector<1x1x16xf32> to vector<16xf32>
      %mul3A_451 = arith.constant 0.983337879 : f32
      %mul3A_452 = vector.broadcast %mul3A_451 : f32 to vector<16xf32>
      %mul3A_453 = arith.mulf %mul3A_452, %get3A_450 : vector<16xf32>
      %get3A_454 = arith.constant 1 : i32
      %get3A_455 = arith.index_cast %get3A_454 : i32 to index
      %get3A_456 = arith.index_cast %add3A_342 : i32 to index
      %get3A_457 = arith.constant 46 : index
      %get3A_458 = tpu.vector_load %arg6[%get3A_455, %get3A_456, %get3A_457] {strides = array<i32>} : memref<3x128x128xf32, #tpu.memory_space<vmem>>, vector<1x1x16xf32>,
      %get3A_459 = vector.shape_cast %get3A_458 : vector<1x1x16xf32> to vector<16xf32>
      %mul3A_460 = arith.constant 0.0163889639 : f32
      %mul3A_461 = vector.broadcast %mul3A_460 : f32 to vector<16xf32>
      %mul3A_462 = arith.mulf %mul3A_461, %get3A_459 : vector<16xf32>
      %add3A_463 = arith.addf %mul3A_453, %mul3A_462 : vector<16xf32>
      %get3A_464 = arith.constant 2 : i32
      %get3A_465 = arith.index_cast %get3A_464 : i32 to index
      %get3A_466 = arith.index_cast %add3A_342 : i32 to index
      %get3A_467 = arith.constant 46 : index
      %get3A_468 = tpu.vector_load %arg6[%get3A_465, %get3A_466, %get3A_467] {strides = array<i32>} : memref<3x128x128xf32, #tpu.memory_space<vmem>>, vector<1x1x16xf32>,
      %get3A_469 = vector.shape_cast %get3A_468 : vector<1x1x16xf32> to vector<16xf32>
      %mul3A_470 = arith.constant 2.73149402E-4 : f32
      %mul3A_471 = vector.broadcast %mul3A_470 : f32 to vector<16xf32>
      %mul3A_472 = arith.mulf %mul3A_471, %get3A_469 : vector<16xf32>
      %add3A_473 = arith.addf %add3A_463, %mul3A_472 : vector<16xf32>
      %swap3A_474 = arith.index_cast %add3A_342 : i32 to index
      %swap3A_475 = arith.constant 46 : index
      %swap3A_476 = tpu.vector_load %arg7[%swap3A_474, %swap3A_475] {strides = array<i32>} : memref<128x62xf32, #tpu.memory_space<vmem>>, vector<1x16xf32>,
      %swap3A_477 = vector.shape_cast %swap3A_476 : vector<1x16xf32> to vector<16xf32>
      %swap3A_478 = vector.shape_cast %add3A_473 : vector<16xf32> to vector<1x16xf32>
      tpu.vector_store %arg7[%swap3A_474, %swap3A_475], %swap3A_478 {strides = array<i32>} : memref<128x62xf32, #tpu.memory_space<vmem>>, vector<1x16xf32>,
      %mul3A_479 = arith.constant 4 : i32
      %mul3A_480 = arith.muli %scan3A_200, %mul3A_479 : i32
      %add3A_481 = arith.constant 2 : i32
      %add3A_482 = arith.addi %mul3A_480, %add3A_481 : i32
      %get3A_483 = arith.constant 0 : i32
      %get3A_484 = arith.index_cast %get3A_483 : i32 to index
      %get3A_485 = arith.index_cast %add3A_482 : i32 to index
      %get3A_486 = arith.constant 0 : index
      %get3A_487 = tpu.vector_load %arg6[%get3A_484, %get3A_485, %get3A_486] {strides = array<i32>} : memref<3x128x128xf32, #tpu.memory_space<vmem>>, vector<1x1x16xf32>,
      %get3A_488 = vector.shape_cast %get3A_487 : vector<1x1x16xf32> to vector<16xf32>
      %mul3A_489 = arith.constant 0.983337879 : f32
      %mul3A_490 = vector.broadcast %mul3A_489 : f32 to vector<16xf32>
      %mul3A_491 = arith.mulf %mul3A_490, %get3A_488 : vector<16xf32>
      %get3A_492 = arith.constant 1 : i32
      %get3A_493 = arith.index_cast %get3A_492 : i32 to index
      %get3A_494 = arith.index_cast %add3A_482 : i32 to index
      %get3A_495 = arith.constant 0 : index
      %get3A_496 = tpu.vector_load %arg6[%get3A_493, %get3A_494, %get3A_495] {strides = array<i32>} : memref<3x128x128xf32, #tpu.memory_space<vmem>>, vector<1x1x16xf32>,
      %get3A_497 = vector.shape_cast %get3A_496 : vector<1x1x16xf32> to vector<16xf32>
      %mul3A_498 = arith.constant 0.0163889639 : f32
      %mul3A_499 = vector.broadcast %mul3A_498 : f32 to vector<16xf32>
      %mul3A_500 = arith.mulf %mul3A_499, %get3A_497 : vector<16xf32>
      %add3A_501 = arith.addf %mul3A_491, %mul3A_500 : vector<16xf32>
      %get3A_502 = arith.constant 2 : i32
      %get3A_503 = arith.index_cast %get3A_502 : i32 to index
      %get3A_504 = arith.index_cast %add3A_482 : i32 to index
      %get3A_505 = arith.constant 0 : index
      %get3A_506 = tpu.vector_load %arg6[%get3A_503, %get3A_504, %get3A_505] {strides = array<i32>} : memref<3x128x128xf32, #tpu.memory_space<vmem>>, vector<1x1x16xf32>,
      %get3A_507 = vector.shape_cast %get3A_506 : vector<1x1x16xf32> to vector<16xf32>
      %mul3A_508 = arith.constant 2.73149402E-4 : f32
      %mul3A_509 = vector.broadcast %mul3A_508 : f32 to vector<16xf32>
      %mul3A_510 = arith.mulf %mul3A_509, %get3A_507 : vector<16xf32>
      %add3A_511 = arith.addf %add3A_501, %mul3A_510 : vector<16xf32>
      %swap3A_512 = arith.index_cast %add3A_482 : i32 to index
      %swap3A_513 = arith.constant 0 : index
      %swap3A_514 = tpu.vector_load %arg7[%swap3A_512, %swap3A_513] {strides = array<i32>} : memref<128x62xf32, #tpu.memory_space<vmem>>, vector<1x16xf32>,
      %swap3A_515 = vector.shape_cast %swap3A_514 : vector<1x16xf32> to vector<16xf32>
      %swap3A_516 = vector.shape_cast %add3A_511 : vector<16xf32> to vector<1x16xf32>
      tpu.vector_store %arg7[%swap3A_512, %swap3A_513], %swap3A_516 {strides = array<i32>} : memref<128x62xf32, #tpu.memory_space<vmem>>, vector<1x16xf32>,
      %get3A_517 = arith.constant 0 : i32
      %get3A_518 = arith.index_cast %get3A_517 : i32 to index
      %get3A_519 = arith.index_cast %add3A_482 : i32 to index
      %get3A_520 = arith.constant 16 : index
      %get3A_521 = tpu.vector_load %arg6[%get3A_518, %get3A_519, %get3A_520] {strides = array<i32>} : memref<3x128x128xf32, #tpu.memory_space<vmem>>, vector<1x1x16xf32>,
      %get3A_522 = vector.shape_cast %get3A_521 : vector<1x1x16xf32> to vector<16xf32>
      %mul3A_523 = arith.constant 0.983337879 : f32
      %mul3A_524 = vector.broadcast %mul3A_523 : f32 to vector<16xf32>
      %mul3A_525 = arith.mulf %mul3A_524, %get3A_522 : vector<16xf32>
      %get3A_526 = arith.constant 1 : i32
      %get3A_527 = arith.index_cast %get3A_526 : i32 to index
      %get3A_528 = arith.index_cast %add3A_482 : i32 to index
      %get3A_529 = arith.constant 16 : index
      %get3A_530 = tpu.vector_load %arg6[%get3A_527, %get3A_528, %get3A_529] {strides = array<i32>} : memref<3x128x128xf32, #tpu.memory_space<vmem>>, vector<1x1x16xf32>,
      %get3A_531 = vector.shape_cast %get3A_530 : vector<1x1x16xf32> to vector<16xf32>
      %mul3A_532 = arith.constant 0.0163889639 : f32
      %mul3A_533 = vector.broadcast %mul3A_532 : f32 to vector<16xf32>
      %mul3A_534 = arith.mulf %mul3A_533, %get3A_531 : vector<16xf32>
      %add3A_535 = arith.addf %mul3A_525, %mul3A_534 : vector<16xf32>
      %get3A_536 = arith.constant 2 : i32
      %get3A_537 = arith.index_cast %get3A_536 : i32 to index
      %get3A_538 = arith.index_cast %add3A_482 : i32 to index
      %get3A_539 = arith.constant 16 : index
      %get3A_540 = tpu.vector_load %arg6[%get3A_537, %get3A_538, %get3A_539] {strides = array<i32>} : memref<3x128x128xf32, #tpu.memory_space<vmem>>, vector<1x1x16xf32>,
      %get3A_541 = vector.shape_cast %get3A_540 : vector<1x1x16xf32> to vector<16xf32>
      %mul3A_542 = arith.constant 2.73149402E-4 : f32
      %mul3A_543 = vector.broadcast %mul3A_542 : f32 to vector<16xf32>
      %mul3A_544 = arith.mulf %mul3A_543, %get3A_541 : vector<16xf32>
      %add3A_545 = arith.addf %add3A_535, %mul3A_544 : vector<16xf32>
      %swap3A_546 = arith.index_cast %add3A_482 : i32 to index
      %swap3A_547 = arith.constant 16 : index
      %swap3A_548 = tpu.vector_load %arg7[%swap3A_546, %swap3A_547] {strides = array<i32>} : memref<128x62xf32, #tpu.memory_space<vmem>>, vector<1x16xf32>,
      %swap3A_549 = vector.shape_cast %swap3A_548 : vector<1x16xf32> to vector<16xf32>
      %swap3A_550 = vector.shape_cast %add3A_545 : vector<16xf32> to vector<1x16xf32>
      tpu.vector_store %arg7[%swap3A_546, %swap3A_547], %swap3A_550 {strides = array<i32>} : memref<128x62xf32, #tpu.memory_space<vmem>>, vector<1x16xf32>,
      %get3A_551 = arith.constant 0 : i32
      %get3A_552 = arith.index_cast %get3A_551 : i32 to index
      %get3A_553 = arith.index_cast %add3A_482 : i32 to index
      %get3A_554 = arith.constant 32 : index
      %get3A_555 = tpu.vector_load %arg6[%get3A_552, %get3A_553, %get3A_554] {strides = array<i32>} : memref<3x128x128xf32, #tpu.memory_space<vmem>>, vector<1x1x16xf32>,
      %get3A_556 = vector.shape_cast %get3A_555 : vector<1x1x16xf32> to vector<16xf32>
      %mul3A_557 = arith.constant 0.983337879 : f32
      %mul3A_558 = vector.broadcast %mul3A_557 : f32 to vector<16xf32>
      %mul3A_559 = arith.mulf %mul3A_558, %get3A_556 : vector<16xf32>
      %get3A_560 = arith.constant 1 : i32
      %get3A_561 = arith.index_cast %get3A_560 : i32 to index
      %get3A_562 = arith.index_cast %add3A_482 : i32 to index
      %get3A_563 = arith.constant 32 : index
      %get3A_564 = tpu.vector_load %arg6[%get3A_561, %get3A_562, %get3A_563] {strides = array<i32>} : memref<3x128x128xf32, #tpu.memory_space<vmem>>, vector<1x1x16xf32>,
      %get3A_565 = vector.shape_cast %get3A_564 : vector<1x1x16xf32> to vector<16xf32>
      %mul3A_566 = arith.constant 0.0163889639 : f32
      %mul3A_567 = vector.broadcast %mul3A_566 : f32 to vector<16xf32>
      %mul3A_568 = arith.mulf %mul3A_567, %get3A_565 : vector<16xf32>
      %add3A_569 = arith.addf %mul3A_559, %mul3A_568 : vector<16xf32>
      %get3A_570 = arith.constant 2 : i32
      %get3A_571 = arith.index_cast %get3A_570 : i32 to index
      %get3A_572 = arith.index_cast %add3A_482 : i32 to index
      %get3A_573 = arith.constant 32 : index
      %get3A_574 = tpu.vector_load %arg6[%get3A_571, %get3A_572, %get3A_573] {strides = array<i32>} : memref<3x128x128xf32, #tpu.memory_space<vmem>>, vector<1x1x16xf32>,
      %get3A_575 = vector.shape_cast %get3A_574 : vector<1x1x16xf32> to vector<16xf32>
      %mul3A_576 = arith.constant 2.73149402E-4 : f32
      %mul3A_577 = vector.broadcast %mul3A_576 : f32 to vector<16xf32>
      %mul3A_578 = arith.mulf %mul3A_577, %get3A_575 : vector<16xf32>
      %add3A_579 = arith.addf %add3A_569, %mul3A_578 : vector<16xf32>
      %swap3A_580 = arith.index_cast %add3A_482 : i32 to index
      %swap3A_581 = arith.constant 32 : index
      %swap3A_582 = tpu.vector_load %arg7[%swap3A_580, %swap3A_581] {strides = array<i32>} : memref<128x62xf32, #tpu.memory_space<vmem>>, vector<1x16xf32>,
      %swap3A_583 = vector.shape_cast %swap3A_582 : vector<1x16xf32> to vector<16xf32>
      %swap3A_584 = vector.shape_cast %add3A_579 : vector<16xf32> to vector<1x16xf32>
      tpu.vector_store %arg7[%swap3A_580, %swap3A_581], %swap3A_584 {strides = array<i32>} : memref<128x62xf32, #tpu.memory_space<vmem>>, vector<1x16xf32>,
      %get3A_585 = arith.constant 0 : i32
      %get3A_586 = arith.index_cast %get3A_585 : i32 to index
      %get3A_587 = arith.index_cast %add3A_482 : i32 to index
      %get3A_588 = arith.constant 46 : index
      %get3A_589 = tpu.vector_load %arg6[%get3A_586, %get3A_587, %get3A_588] {strides = array<i32>} : memref<3x128x128xf32, #tpu.memory_space<vmem>>, vector<1x1x16xf32>,
      %get3A_590 = vector.shape_cast %get3A_589 : vector<1x1x16xf32> to vector<16xf32>
      %mul3A_591 = arith.constant 0.983337879 : f32
      %mul3A_592 = vector.broadcast %mul3A_591 : f32 to vector<16xf32>
      %mul3A_593 = arith.mulf %mul3A_592, %get3A_590 : vector<16xf32>
      %get3A_594 = arith.constant 1 : i32
      %get3A_595 = arith.index_cast %get3A_594 : i32 to index
      %get3A_596 = arith.index_cast %add3A_482 : i32 to index
      %get3A_597 = arith.constant 46 : index
      %get3A_598 = tpu.vector_load %arg6[%get3A_595, %get3A_596, %get3A_597] {strides = array<i32>} : memref<3x128x128xf32, #tpu.memory_space<vmem>>, vector<1x1x16xf32>,
      %get3A_599 = vector.shape_cast %get3A_598 : vector<1x1x16xf32> to vector<16xf32>
      %mul3A_600 = arith.constant 0.0163889639 : f32
      %mul3A_601 = vector.broadcast %mul3A_600 : f32 to vector<16xf32>
      %mul3A_602 = arith.mulf %mul3A_601, %get3A_599 : vector<16xf32>
      %add3A_603 = arith.addf %mul3A_593, %mul3A_602 : vector<16xf32>
      %get3A_604 = arith.constant 2 : i32
      %get3A_605 = arith.index_cast %get3A_604 : i32 to index
      %get3A_606 = arith.index_cast %add3A_482 : i32 to index
      %get3A_607 = arith.constant 46 : index
      %get3A_608 = tpu.vector_load %arg6[%get3A_605, %get3A_606, %get3A_607] {strides = array<i32>} : memref<3x128x128xf32, #tpu.memory_space<vmem>>, vector<1x1x16xf32>,
      %get3A_609 = vector.shape_cast %get3A_608 : vector<1x1x16xf32> to vector<16xf32>
      %mul3A_610 = arith.constant 2.73149402E-4 : f32
      %mul3A_611 = vector.broadcast %mul3A_610 : f32 to vector<16xf32>
      %mul3A_612 = arith.mulf %mul3A_611, %get3A_609 : vector<16xf32>
      %add3A_613 = arith.addf %add3A_603, %mul3A_612 : vector<16xf32>
      %swap3A_614 = arith.index_cast %add3A_482 : i32 to index
      %swap3A_615 = arith.constant 46 : index
      %swap3A_616 = tpu.vector_load %arg7[%swap3A_614, %swap3A_615] {strides = array<i32>} : memref<128x62xf32, #tpu.memory_space<vmem>>, vector<1x16xf32>,
      %swap3A_617 = vector.shape_cast %swap3A_616 : vector<1x16xf32> to vector<16xf32>
      %swap3A_618 = vector.shape_cast %add3A_613 : vector<16xf32> to vector<1x16xf32>
      tpu.vector_store %arg7[%swap3A_614, %swap3A_615], %swap3A_618 {strides = array<i32>} : memref<128x62xf32, #tpu.memory_space<vmem>>, vector<1x16xf32>,
      %mul3A_619 = arith.constant 4 : i32
      %mul3A_620 = arith.muli %scan3A_200, %mul3A_619 : i32
      %add3A_621 = arith.constant 3 : i32
      %add3A_622 = arith.addi %mul3A_620, %add3A_621 : i32
      %get3A_623 = arith.constant 0 : i32
      %get3A_624 = arith.index_cast %get3A_623 : i32 to index
      %get3A_625 = arith.index_cast %add3A_622 : i32 to index
      %get3A_626 = arith.constant 0 : index
      %get3A_627 = tpu.vector_load %arg6[%get3A_624, %get3A_625, %get3A_626] {strides = array<i32>} : memref<3x128x128xf32, #tpu.memory_space<vmem>>, vector<1x1x16xf32>,
      %get3A_628 = vector.shape_cast %get3A_627 : vector<1x1x16xf32> to vector<16xf32>
      %mul3A_629 = arith.constant 0.983337879 : f32
      %mul3A_630 = vector.broadcast %mul3A_629 : f32 to vector<16xf32>
      %mul3A_631 = arith.mulf %mul3A_630, %get3A_628 : vector<16xf32>
      %get3A_632 = arith.constant 1 : i32
      %get3A_633 = arith.index_cast %get3A_632 : i32 to index
      %get3A_634 = arith.index_cast %add3A_622 : i32 to index
      %get3A_635 = arith.constant 0 : index
      %get3A_636 = tpu.vector_load %arg6[%get3A_633, %get3A_634, %get3A_635] {strides = array<i32>} : memref<3x128x128xf32, #tpu.memory_space<vmem>>, vector<1x1x16xf32>,
      %get3A_637 = vector.shape_cast %get3A_636 : vector<1x1x16xf32> to vector<16xf32>
      %mul3A_638 = arith.constant 0.0163889639 : f32
      %mul3A_639 = vector.broadcast %mul3A_638 : f32 to vector<16xf32>
      %mul3A_640 = arith.mulf %mul3A_639, %get3A_637 : vector<16xf32>
      %add3A_641 = arith.addf %mul3A_631, %mul3A_640 : vector<16xf32>
      %get3A_642 = arith.constant 2 : i32
      %get3A_643 = arith.index_cast %get3A_642 : i32 to index
      %get3A_644 = arith.index_cast %add3A_622 : i32 to index
      %get3A_645 = arith.constant 0 : index
      %get3A_646 = tpu.vector_load %arg6[%get3A_643, %get3A_644, %get3A_645] {strides = array<i32>} : memref<3x128x128xf32, #tpu.memory_space<vmem>>, vector<1x1x16xf32>,
      %get3A_647 = vector.shape_cast %get3A_646 : vector<1x1x16xf32> to vector<16xf32>
      %mul3A_648 = arith.constant 2.73149402E-4 : f32
      %mul3A_649 = vector.broadcast %mul3A_648 : f32 to vector<16xf32>
      %mul3A_650 = arith.mulf %mul3A_649, %get3A_647 : vector<16xf32>
      %add3A_651 = arith.addf %add3A_641, %mul3A_650 : vector<16xf32>
      %swap3A_652 = arith.index_cast %add3A_622 : i32 to index
      %swap3A_653 = arith.constant 0 : index
      %swap3A_654 = tpu.vector_load %arg7[%swap3A_652, %swap3A_653] {strides = array<i32>} : memref<128x62xf32, #tpu.memory_space<vmem>>, vector<1x16xf32>,
      %swap3A_655 = vector.shape_cast %swap3A_654 : vector<1x16xf32> to vector<16xf32>
      %swap3A_656 = vector.shape_cast %add3A_651 : vector<16xf32> to vector<1x16xf32>
      tpu.vector_store %arg7[%swap3A_652, %swap3A_653], %swap3A_656 {strides = array<i32>} : memref<128x62xf32, #tpu.memory_space<vmem>>, vector<1x16xf32>,
      %get3A_657 = arith.constant 0 : i32
      %get3A_658 = arith.index_cast %get3A_657 : i32 to index
      %get3A_659 = arith.index_cast %add3A_622 : i32 to index
      %get3A_660 = arith.constant 16 : index
      %get3A_661 = tpu.vector_load %arg6[%get3A_658, %get3A_659, %get3A_660] {strides = array<i32>} : memref<3x128x128xf32, #tpu.memory_space<vmem>>, vector<1x1x16xf32>,
      %get3A_662 = vector.shape_cast %get3A_661 : vector<1x1x16xf32> to vector<16xf32>
      %mul3A_663 = arith.constant 0.983337879 : f32
      %mul3A_664 = vector.broadcast %mul3A_663 : f32 to vector<16xf32>
      %mul3A_665 = arith.mulf %mul3A_664, %get3A_662 : vector<16xf32>
      %get3A_666 = arith.constant 1 : i32
      %get3A_667 = arith.index_cast %get3A_666 : i32 to index
      %get3A_668 = arith.index_cast %add3A_622 : i32 to index
      %get3A_669 = arith.constant 16 : index
      %get3A_670 = tpu.vector_load %arg6[%get3A_667, %get3A_668, %get3A_669] {strides = array<i32>} : memref<3x128x128xf32, #tpu.memory_space<vmem>>, vector<1x1x16xf32>,
      %get3A_671 = vector.shape_cast %get3A_670 : vector<1x1x16xf32> to vector<16xf32>
      %mul3A_672 = arith.constant 0.0163889639 : f32
      %mul3A_673 = vector.broadcast %mul3A_672 : f32 to vector<16xf32>
      %mul3A_674 = arith.mulf %mul3A_673, %get3A_671 : vector<16xf32>
      %add3A_675 = arith.addf %mul3A_665, %mul3A_674 : vector<16xf32>
      %get3A_676 = arith.constant 2 : i32
      %get3A_677 = arith.index_cast %get3A_676 : i32 to index
      %get3A_678 = arith.index_cast %add3A_622 : i32 to index
      %get3A_679 = arith.constant 16 : index
      %get3A_680 = tpu.vector_load %arg6[%get3A_677, %get3A_678, %get3A_679] {strides = array<i32>} : memref<3x128x128xf32, #tpu.memory_space<vmem>>, vector<1x1x16xf32>,
      %get3A_681 = vector.shape_cast %get3A_680 : vector<1x1x16xf32> to vector<16xf32>
      %mul3A_682 = arith.constant 2.73149402E-4 : f32
      %mul3A_683 = vector.broadcast %mul3A_682 : f32 to vector<16xf32>
      %mul3A_684 = arith.mulf %mul3A_683, %get3A_681 : vector<16xf32>
      %add3A_685 = arith.addf %add3A_675, %mul3A_684 : vector<16xf32>
      %swap3A_686 = arith.index_cast %add3A_622 : i32 to index
      %swap3A_687 = arith.constant 16 : index
      %swap3A_688 = tpu.vector_load %arg7[%swap3A_686, %swap3A_687] {strides = array<i32>} : memref<128x62xf32, #tpu.memory_space<vmem>>, vector<1x16xf32>,
      %swap3A_689 = vector.shape_cast %swap3A_688 : vector<1x16xf32> to vector<16xf32>
      %swap3A_690 = vector.shape_cast %add3A_685 : vector<16xf32> to vector<1x16xf32>
      tpu.vector_store %arg7[%swap3A_686, %swap3A_687], %swap3A_690 {strides = array<i32>} : memref<128x62xf32, #tpu.memory_space<vmem>>, vector<1x16xf32>,
      %get3A_691 = arith.constant 0 : i32
      %get3A_692 = arith.index_cast %get3A_691 : i32 to index
      %get3A_693 = arith.index_cast %add3A_622 : i32 to index
      %get3A_694 = arith.constant 32 : index
      %get3A_695 = tpu.vector_load %arg6[%get3A_692, %get3A_693, %get3A_694] {strides = array<i32>} : memref<3x128x128xf32, #tpu.memory_space<vmem>>, vector<1x1x16xf32>,
      %get3A_696 = vector.shape_cast %get3A_695 : vector<1x1x16xf32> to vector<16xf32>
      %mul3A_697 = arith.constant 0.983337879 : f32
      %mul3A_698 = vector.broadcast %mul3A_697 : f32 to vector<16xf32>
      %mul3A_699 = arith.mulf %mul3A_698, %get3A_696 : vector<16xf32>
      %get3A_700 = arith.constant 1 : i32
      %get3A_701 = arith.index_cast %get3A_700 : i32 to index
      %get3A_702 = arith.index_cast %add3A_622 : i32 to index
      %get3A_703 = arith.constant 32 : index
      %get3A_704 = tpu.vector_load %arg6[%get3A_701, %get3A_702, %get3A_703] {strides = array<i32>} : memref<3x128x128xf32, #tpu.memory_space<vmem>>, vector<1x1x16xf32>,
      %get3A_705 = vector.shape_cast %get3A_704 : vector<1x1x16xf32> to vector<16xf32>
      %mul3A_706 = arith.constant 0.0163889639 : f32
      %mul3A_707 = vector.broadcast %mul3A_706 : f32 to vector<16xf32>
      %mul3A_708 = arith.mulf %mul3A_707, %get3A_705 : vector<16xf32>
      %add3A_709 = arith.addf %mul3A_699, %mul3A_708 : vector<16xf32>
      %get3A_710 = arith.constant 2 : i32
      %get3A_711 = arith.index_cast %get3A_710 : i32 to index
      %get3A_712 = arith.index_cast %add3A_622 : i32 to index
      %get3A_713 = arith.constant 32 : index
      %get3A_714 = tpu.vector_load %arg6[%get3A_711, %get3A_712, %get3A_713] {strides = array<i32>} : memref<3x128x128xf32, #tpu.memory_space<vmem>>, vector<1x1x16xf32>,
      %get3A_715 = vector.shape_cast %get3A_714 : vector<1x1x16xf32> to vector<16xf32>
      %mul3A_716 = arith.constant 2.73149402E-4 : f32
      %mul3A_717 = vector.broadcast %mul3A_716 : f32 to vector<16xf32>
      %mul3A_718 = arith.mulf %mul3A_717, %get3A_715 : vector<16xf32>
      %add3A_719 = arith.addf %add3A_709, %mul3A_718 : vector<16xf32>
      %swap3A_720 = arith.index_cast %add3A_622 : i32 to index
      %swap3A_721 = arith.constant 32 : index
      %swap3A_722 = tpu.vector_load %arg7[%swap3A_720, %swap3A_721] {strides = array<i32>} : memref<128x62xf32, #tpu.memory_space<vmem>>, vector<1x16xf32>,
      %swap3A_723 = vector.shape_cast %swap3A_722 : vector<1x16xf32> to vector<16xf32>
      %swap3A_724 = vector.shape_cast %add3A_719 : vector<16xf32> to vector<1x16xf32>
      tpu.vector_store %arg7[%swap3A_720, %swap3A_721], %swap3A_724 {strides = array<i32>} : memref<128x62xf32, #tpu.memory_space<vmem>>, vector<1x16xf32>,
      %get3A_725 = arith.constant 0 : i32
      %get3A_726 = arith.index_cast %get3A_725 : i32 to index
      %get3A_727 = arith.index_cast %add3A_622 : i32 to index
      %get3A_728 = arith.constant 46 : index
      %get3A_729 = tpu.vector_load %arg6[%get3A_726, %get3A_727, %get3A_728] {strides = array<i32>} : memref<3x128x128xf32, #tpu.memory_space<vmem>>, vector<1x1x16xf32>,
      %get3A_730 = vector.shape_cast %get3A_729 : vector<1x1x16xf32> to vector<16xf32>
      %mul3A_731 = arith.constant 0.983337879 : f32
      %mul3A_732 = vector.broadcast %mul3A_731 : f32 to vector<16xf32>
      %mul3A_733 = arith.mulf %mul3A_732, %get3A_730 : vector<16xf32>
      %get3A_734 = arith.constant 1 : i32
      %get3A_735 = arith.index_cast %get3A_734 : i32 to index
      %get3A_736 = arith.index_cast %add3A_622 : i32 to index
      %get3A_737 = arith.constant 46 : index
      %get3A_738 = tpu.vector_load %arg6[%get3A_735, %get3A_736, %get3A_737] {strides = array<i32>} : memref<3x128x128xf32, #tpu.memory_space<vmem>>, vector<1x1x16xf32>,
      %get3A_739 = vector.shape_cast %get3A_738 : vector<1x1x16xf32> to vector<16xf32>
      %mul3A_740 = arith.constant 0.0163889639 : f32
      %mul3A_741 = vector.broadcast %mul3A_740 : f32 to vector<16xf32>
      %mul3A_742 = arith.mulf %mul3A_741, %get3A_739 : vector<16xf32>
      %add3A_743 = arith.addf %mul3A_733, %mul3A_742 : vector<16xf32>
      %get3A_744 = arith.constant 2 : i32
      %get3A_745 = arith.index_cast %get3A_744 : i32 to index
      %get3A_746 = arith.index_cast %add3A_622 : i32 to index
      %get3A_747 = arith.constant 46 : index
      %get3A_748 = tpu.vector_load %arg6[%get3A_745, %get3A_746, %get3A_747] {strides = array<i32>} : memref<3x128x128xf32, #tpu.memory_space<vmem>>, vector<1x1x16xf32>,
      %get3A_749 = vector.shape_cast %get3A_748 : vector<1x1x16xf32> to vector<16xf32>
      %mul3A_750 = arith.constant 2.73149402E-4 : f32
      %mul3A_751 = vector.broadcast %mul3A_750 : f32 to vector<16xf32>
      %mul3A_752 = arith.mulf %mul3A_751, %get3A_749 : vector<16xf32>
      %add3A_753 = arith.addf %add3A_743, %mul3A_752 : vector<16xf32>
      %swap3A_754 = arith.index_cast %add3A_622 : i32 to index
      %swap3A_755 = arith.constant 46 : index
      %swap3A_756 = tpu.vector_load %arg7[%swap3A_754, %swap3A_755] {strides = array<i32>} : memref<128x62xf32, #tpu.memory_space<vmem>>, vector<1x16xf32>,
      %swap3A_757 = vector.shape_cast %swap3A_756 : vector<1x16xf32> to vector<16xf32>
      %swap3A_758 = vector.shape_cast %add3A_753 : vector<16xf32> to vector<1x16xf32>
      tpu.vector_store %arg7[%swap3A_754, %swap3A_755], %swap3A_758 {strides = array<i32>} : memref<128x62xf32, #tpu.memory_space<vmem>>, vector<1x16xf32>,
    }
    %scan3A_167 = arith.constant 16 : i32
    %add3A_168 = arith.constant 64 : i32
    %add3A_169 = arith.addi %mul3A_2, %add3A_168 : i32
    %dma_start3A_170 = arith.constant 64 : i32
    %dma_start3A_171 = arith.constant 0 : i32
    %dma_start3A_172 = tpu.memref_slice %arg7[%dma_start3A_170, %dma_start3A_171] : memref<128x62xf32, #tpu.memory_space<vmem>> -> memref<64x62xf32, #tpu.memory_space<vmem>>
    %dma_start3A_173 = arith.constant 0 : i32
    %dma_start3A_174 = tpu.memref_slice %arg4[%add3A_169, %dma_start3A_173] : memref<4096x62xf32, #tpu.memory_space<hbm>> -> memref<64x62xf32, #tpu.memory_space<hbm>>
    %dma_start3A_175 = arith.constant 0 : i32
    %dma_start3A_176 = tpu.memref_slice %arg4[%add3A_169, %dma_start3A_175] : memref<4096x62xf32, #tpu.memory_space<hbm>> -> memref<64x62xf32, #tpu.memory_space<hbm>>
    %dma_start3A_177 = arith.constant 64 : i32
    %dma_start3A_178 = arith.constant 0 : i32
    %dma_start3A_179 = tpu.memref_slice %arg7[%dma_start3A_177, %dma_start3A_178] : memref<128x62xf32, #tpu.memory_space<vmem>> -> memref<64x62xf32, #tpu.memory_space<vmem>>
    tpu.enqueue_dma source(%dma_start3A_179 : memref<64x62xf32, #tpu.memory_space<vmem>>) target(%dma_start3A_176 : memref<64x62xf32, #tpu.memory_space<hbm>>) target_semaphore(%arg10 : memref<!tpu.dma_semaphore, #tpu.memory_space<semaphore_mem>>)
    %dma_wait3A_180 = arith.constant 0 : i32
    %dma_wait3A_181 = arith.constant 0 : i32
    %dma_wait3A_182 = tpu.memref_slice %arg7[%dma_wait3A_180, %dma_wait3A_181] : memref<128x62xf32, #tpu.memory_space<vmem>> -> memref<64x62xf32, #tpu.memory_space<vmem>>
    %dma_wait3A_183 = arith.constant 0 : i32
    %dma_wait3A_184 = tpu.memref_slice %arg4[%add3A_115, %dma_wait3A_183] : memref<4096x62xf32, #tpu.memory_space<hbm>> -> memref<64x62xf32, #tpu.memory_space<hbm>>
    %dma_wait3A_185 = arith.constant 0 : i32
    %dma_wait3A_186 = tpu.memref_slice %arg4[%add3A_115, %dma_wait3A_185] : memref<4096x62xf32, #tpu.memory_space<hbm>> -> memref<64x62xf32, #tpu.memory_space<hbm>>
    %dma_wait3A_187 = arith.constant 0 : i32
    %dma_wait3A_188 = arith.constant 0 : i32
    %dma_wait3A_189 = tpu.memref_slice %arg7[%dma_wait3A_187, %dma_wait3A_188] : memref<128x62xf32, #tpu.memory_space<vmem>> -> memref<64x62xf32, #tpu.memory_space<vmem>>
    tpu.wait_dma2 semaphore(%arg10 : memref<!tpu.dma_semaphore, #tpu.memory_space<semaphore_mem>>) src(%dma_wait3A_189 : memref<64x62xf32, #tpu.memory_space<vmem>>) dst(%dma_wait3A_186 : memref<64x62xf32, #tpu.memory_space<hbm>>)
    %dma_wait3A_190 = arith.constant 64 : i32
    %dma_wait3A_191 = arith.constant 0 : i32
    %dma_wait3A_192 = tpu.memref_slice %arg7[%dma_wait3A_190, %dma_wait3A_191] : memref<128x62xf32, #tpu.memory_space<vmem>> -> memref<64x62xf32, #tpu.memory_space<vmem>>
    %dma_wait3A_193 = arith.constant 0 : i32
    %dma_wait3A_194 = tpu.memref_slice %arg4[%add3A_169, %dma_wait3A_193] : memref<4096x62xf32, #tpu.memory_space<hbm>> -> memref<64x62xf32, #tpu.memory_space<hbm>>
    %dma_wait3A_195 = arith.constant 0 : i32
    %dma_wait3A_196 = tpu.memref_slice %arg4[%add3A_169, %dma_wait3A_195] : memref<4096x62xf32, #tpu.memory_space<hbm>> -> memref<64x62xf32, #tpu.memory_space<hbm>>
    %dma_wait3A_197 = arith.constant 64 : i32
    %dma_wait3A_198 = arith.constant 0 : i32
    %dma_wait3A_199 = tpu.memref_slice %arg7[%dma_wait3A_197, %dma_wait3A_198] : memref<128x62xf32, #tpu.memory_space<vmem>> -> memref<64x62xf32, #tpu.memory_space<vmem>>
    tpu.wait_dma2 semaphore(%arg10 : memref<!tpu.dma_semaphore, #tpu.memory_space<semaphore_mem>>) src(%dma_wait3A_199 : memref<64x62xf32, #tpu.memory_space<vmem>>) dst(%dma_wait3A_196 : memref<64x62xf32, #tpu.memory_space<hbm>>)
    return
  }
}

module attributes {stable_mosaic.version = 14 : i64} {
  func.func @_tc_table_body(%arg0: memref<3000x62xf32, #tpu.memory_space<vmem>>, %arg1: memref<62x62xf32, #tpu.memory_space<vmem>>, %arg2: memref<1x62xf32, #tpu.memory_space<vmem>>, %arg3: memref<3000x128xf32, #tpu.memory_space<vmem>>) attributes {dimension_semantics = [], scalar_prefetch = 0 : i64, scratch_operands = 0 : i64, tpu.core_type = #tpu.core_type<tc>} {
    %get3A = arith.constant 0 : index
    %get3A_0 = arith.constant 0 : index
    %get3A_1 = vector.load %arg0[%get3A, %get3A_0] : memref<3000x62xf32, #tpu.memory_space<vmem>>, vector<3000x62xf32>
    %get3A_2 = arith.constant 0 : index
    %get3A_3 = arith.constant 0 : index
    %get3A_4 = vector.load %arg1[%get3A_2, %get3A_3] : memref<62x62xf32, #tpu.memory_space<vmem>>, vector<62x62xf32>
    %dot_general3A = arith.constant dense<0.000000e+00> : vector<3000x62xf32>
    %dot_general3A_5 = tpu.matmul %get3A_1, %get3A_4, %dot_general3A {dimension_numbers = #tpu.dot_dimension_numbers<[1], [1], [0], [0], [0, 0, 1, 0], [], []>, transpose_lhs_hint = false} : vector<3000x62xf32>, vector<62x62xf32>, vector<3000x62xf32> -> vector<3000x62xf32>
    %get3A_6 = arith.constant 0 : index
    %get3A_7 = arith.constant 0 : index
    %get3A_8 = vector.load %arg2[%get3A_6, %get3A_7] : memref<1x62xf32, #tpu.memory_space<vmem>>, vector<1x62xf32>
    %add3A = vector.broadcast %get3A_8 : vector<1x62xf32> to vector<3000x62xf32>
    %add3A_9 = arith.addf %dot_general3A_5, %add3A : vector<3000x62xf32>
    %broadcast_in_dim3A = arith.constant 0.000000e+00 : f32
    %broadcast_in_dim3A_10 = vector.broadcast %broadcast_in_dim3A : f32 to vector<3000x66xf32>
    %concatenate3A = tpu.concatenate %add3A_9, %broadcast_in_dim3A_10 in 1 : vector<3000x62xf32>, vector<3000x66xf32> -> vector<3000x128xf32>
    %swap3A = arith.constant 0 : index
    %swap3A_11 = arith.constant 0 : index
    %swap3A_12 = vector.load %arg3[%swap3A, %swap3A_11] : memref<3000x128xf32, #tpu.memory_space<vmem>>, vector<3000x128xf32>
    tpu.vector_store %arg3[%swap3A, %swap3A_11], %concatenate3A {strides = array<i32>} : memref<3000x128xf32, #tpu.memory_space<vmem>>, vector<3000x128xf32>,
    return
  }
}

</mosaic_0001>

<sc_bundles>
// kernel: kernel.4.cloned.1.call-start
scs
__scs_entry_jumppad:
0x0: {  	(pc) =	sbr.rel $0x88, $3  }
0x1: {  	(tag) =	ssettag $0x0;
	lr =	simm.s32 $0x1  }
0x2: {  	[smem:$0x3F9D] =	sst lr;
	_ =	strace $0xD0000000  }
0x3: {  	_ = 	snop  }
0x4: {  	_ = 	snop  }
0x5: {  	_ = 	snop  }
0x6: {  	_ = 	snop  }
0x7: {  	_ = 	snop  }
__scs_overlays_trampoline_lowered:
0x8: {  	[smem:$0x3FAC] =	sst s0  }
0x9: {  	[smem:$0x3FAD] =	sst s1  }
0xa: {  	[smem:$0x3FAE] =	sst s2  }
0xb: {  	[smem:$0x3FAF] =	sst s3  }
0xc: {  	[smem:$0x3FB0] =	sst s4  }
0xd: {  	[smem:$0x3FB1] =	sst s5  }
0xe: {  	[smem:$0x3FB2] =	sst s6  }
0xf: {  	[smem:$0x3FB3] =	sst s7  }
0x10: {  	[smem:$0x3FB4] =	sst s8  }
0x11: {  	[smem:$0x3FB5] =	sst s9;
	s0 =	simm.s32 @!p0 $0x0  }
0x12: {  	s1 =	sld [smem:$0x3F9B];
	s0 =	simm.s32 @p0 $0x1  }
0x13: {  	[smem:$0x3FB6] =	sst s0;
	s0 =	simm.s32 @!p1 $0x0  }
0x14: {  	s2 =	sld [smem:$0x3F9A];
	s0 =	simm.s32 @p1 $0x1  }
0x15: {  	[smem:$0x3FB7] =	sst s0;
	s0 =	simm.s32 @!p2 $0x0  }
0x16: {  	s3 =	sld [smem:$0x3FDB];
	s0 =	simm.s32 @p2 $0x1  }
0x17: {  	s4 =	simm.s32 $0x1BF5;
	[smem:$0x3FB9] =	sst s0  }
0x18: {  	s0 =	sld [smem:$0x3F9C];
	_ =	swait.ge [sflag:s4], $0x0  }
0x19: {  	s7 =	sld [smem:$0x3F9D]  }
0x1a: {  	s8 =	sadd.s32 $0xFFFFE003, lr  }
0x1b: {  	s9 =	sadd.s32 $0xFFFFFEF7, lr;
	s5 =	simm.s32 $0xFFFFFFFF;
	p2 =	slt.u32 s8, $0xFFFFF086  }
0x1c: {  	p1 =	slt.u32 s9, $0xF7A;
	s5 =	simm.s32 @!p2 $0x0  }
0x1d: {  	s5 =	simm.s32 @p1 $0x1;
	p0 =	seq.s32 s7, s2  }
0x1e: {  	s7 =	smul.u32 @!p0 $0xF7A, s2;
	p2 =	seq.s32 @!p0 s5, $0x0  }
0x1f: {  	s9 =	smul.u32 $0xF7A, s1;
	s8 =	simm.s32 @!p0 $0x1BF5;
	p2 =	por !p2, p0  }
0x20: {  	[sflag:s8] =	ssyncset.s32 @!p0 $0xFFFFF086;
	s6 =	sadd.s32 @!p0 s3, s7;
	s7 =	simm.s32 @!p0 $0x108  }
0x21: {  	s3 =	sadd.s32 s3, s9;
	s6 =	sadd.s32 @!p0 $0x88, s6;
	s7 =	simm.s32 @p2 $0x1082  }
0x22: {  	[simem:s7], [sflag:s8] =	dma.local @!p0 [hbm:s6], $0xF7A  }
0x23: {  	s9 =	sor.u32 $0xD0000000, s2;
	s6 =	simm.s32 $0x108;
	_ =	swait.ge @!p0 [sflag:s8], $0x0  }
0x24: {  	s3 =	sadd.s32 $0x88, s3;
	s6 =	simm.s32 @!p1 $0x1082;
	[sflag:s4] =	ssyncset.s32 $0xFFFFF086  }
0x25: {  	[simem:s6], [sflag:s4] =	dma.local [hbm:s3], $0xF7A  }
0x26: {  	[smem:$0x3F9D] =	sst s1;
	(tag) =	ssettag s2;
	_ =	strace s9  }
0x27: {  	s1 =	sld [smem:$0x3FAD]  }
0x28: {  	s2 =	sld [smem:$0x3FAE]  }
0x29: {  	s4 =	sld [smem:$0x3FB0]  }
0x2a: {  	p0 =	seq.s32 s5, $0x0;
	s5 =	sld [smem:$0x3FB1]  }
0x2b: {  	s6 =	sld [smem:$0x3FB2]  }
0x2c: {  	s7 =	sld [smem:$0x3FB3]  }
0x2d: {  	s3 =	simm.s32 $0x108;
	s8 =	sld [smem:$0x3FB4]  }
0x2e: {  	s3 =	simm.s32 @!p0 $0x1082;
	s9 =	sld [smem:$0x3FB5]  }
0x2f: {  	lr =	sadd.s32 s0, s3;
	s0 =	sld [smem:$0x3FAC]  }
0x30: {  	s3 =	sld [smem:$0x3FAF]  }
0x31: {  	[smem:$0x3FB8] =	sst s10  }
0x32: {  	s10 =	sld [smem:$0x3FB6];
	_ =	sdelay $0x3  }
0x33: {  	p0 =	seq.s32 s10, $0x1;
	s10 =	sld [smem:$0x3FB8];
	_ =	sdelay $0x3  }
0x34: {  	[smem:$0x3FB8] =	sst s10  }
0x35: {  	s10 =	sld [smem:$0x3FB7];
	_ =	sdelay $0x3  }
0x36: {  	p1 =	seq.s32 s10, $0x1;
	s10 =	sld [smem:$0x3FB8];
	_ =	sdelay $0x3  }
0x37: {  	[smem:$0x3FB8] =	sst s10  }
0x38: {  	s10 =	sld [smem:$0x3FB9]  }
0x39: {  	_ = 	snop;
	(pc) =	sbr.ind lr, $3  }
0x3a: {  	_ = 	snop  }
0x3b: {  	_ = 	snop  }
0x3c: {  	p2 =	seq.s32 s10, $0x1;
	s10 =	sld [smem:$0x3FB8]  }
0x3d: {  	_ =	shalt  }
0x3e: {  	_ =	shalt  }
0x3f: {  	_ =	shalt  }
0x40: {  	_ =	shalt  }
0x41: {  	_ =	shalt  }
0x42: {  	_ =	shalt  }
0x43: {  	_ =	shalt  }
0x44: {  	_ =	shalt  }
0x45: {  	_ =	shalt  }
0x46: {  	_ =	shalt  }
0x47: {  	_ =	shalt  }
0x48: {  	_ =	shalt  }
0x49: {  	_ =	shalt  }
0x4a: {  	_ =	shalt  }
0x4b: {  	_ =	shalt  }
0x4c: {  	_ =	shalt  }
0x4d: {  	_ =	shalt  }
0x4e: {  	_ =	shalt  }
0x4f: {  	_ =	shalt  }
0x50: {  	_ =	shalt  }
0x51: {  	_ =	shalt  }
0x52: {  	_ =	shalt  }
0x53: {  	_ =	shalt  }
0x54: {  	_ =	shalt  }
0x55: {  	_ =	shalt  }
0x56: {  	_ =	shalt  }
0x57: {  	_ =	shalt  }
0x58: {  	_ =	shalt  }
0x59: {  	_ =	shalt  }
0x5a: {  	_ =	shalt  }
0x5b: {  	_ =	shalt  }
0x5c: {  	_ =	shalt  }
0x5d: {  	_ =	shalt  }
0x5e: {  	_ =	shalt  }
0x5f: {  	_ =	shalt  }
0x60: {  	_ =	shalt  }
0x61: {  	_ =	shalt  }
0x62: {  	_ =	shalt  }
0x63: {  	_ =	shalt  }
0x64: {  	_ =	shalt  }
0x65: {  	_ =	shalt  }
0x66: {  	_ =	shalt  }
0x67: {  	_ =	shalt  }
0x68: {  	_ =	shalt  }
0x69: {  	_ =	shalt  }
0x6a: {  	_ =	shalt  }
0x6b: {  	_ =	shalt  }
0x6c: {  	_ =	shalt  }
0x6d: {  	_ =	shalt  }
0x6e: {  	_ =	shalt  }
0x6f: {  	_ =	shalt  }
0x70: {  	_ =	shalt  }
0x71: {  	_ =	shalt  }
0x72: {  	_ =	shalt  }
0x73: {  	_ =	shalt  }
0x74: {  	_ =	shalt  }
0x75: {  	_ =	shalt  }
0x76: {  	_ =	shalt  }
0x77: {  	_ =	shalt  }
0x78: {  	_ =	shalt  }
0x79: {  	_ =	shalt  }
0x7a: {  	_ =	shalt  }
0x7b: {  	_ =	shalt  }
0x7c: {  	_ =	shalt  }
0x7d: {  	_ =	shalt  }
0x7e: {  	_ =	shalt  }
0x7f: {  	_ =	shalt  }
0x80: {  	_ =	shalt  }
0x81: {  	_ =	shalt  }
0x82: {  	_ =	shalt  }
0x83: {  	_ =	shalt  }
0x84: {  	_ =	shalt  }
0x85: {  	_ =	shalt  }
0x86: {  	_ =	shalt  }
0x87: {  	_ =	shalt  }
.Lfunc_end0:
.L_simem_size_0:
called_computation_lowered:
.L_overlay_start_0:
0x88: {  	s2 =	sld [smem:$0x3FD9]  }
0x89: {  	s3 =	sld [smem:$0x3FFE];
	_ =	sdelay $0x1  }
0x8a: {  	s1 =	srdreg.scid  }
0x8b: {  	s0 =	sand.u32 $0x1, s1  }
0x8c: {  	s17 =	sshll.u32 s0, $0xA;
	s2 =	sadd.s32 s3, s2  }
0x8d: {  	s2 =	sadd.s32 s2, s17  }
0x8e: {  	[smem:$0x3FC4] =	sst s2  }
0x8f: {  	_ = 	snop  }
0x90: {  	s2 =	sld [smem:$0x3FC9];
	(tm) =	ssettm $0x1  }
0x91: {  	s18 =	sld [smem:$0x3FFB];
	_ =	sdelay $0x3  }
0x92: {  	_ =	strace s18  }
0x93: {  	s3 =	sld [smem:$0x3FFC];
	_ =	sdelay $0x3  }
0x94: {  	_ =	strace s3  }
0x95: {  	s3 =	sld [smem:$0x3FFD];
	_ =	sdelay $0x3  }
0x96: {  	_ =	strace s3  }
0x97: {  	_ =	strace $0x8FFFFFFF  }
0x98: {  	s19 =	sld [smem:$0x3FDB];
	_ =	sdelay $0x1  }
0x99: {  	s4 =	simm.s32 $_scs_section_size  }
0x9a: {  	s5 =	simm.s32 $_size__tile_overlayer_lowered;
	s6 =	simm.s32 $_tile_overlayer_lowered  }
0x9b: {  	s22 =	simm.s32 $0x1BFF;
	s21 =	sshll.u32 s6, $0x1;
	s3 =	sadd.s32 s4, s19  }
0x9c: {  	s7 =	simm.s32 $0x0;
	s20 =	sshll.u32 s5, $0x1;
	s5 =	sadd.s32 s21, s3  }
0x9d: {  	[timem:s7], [sflag:s22] =	dma.local [hbm:s5], s20  }
0x9e: {  	_ =	swait.ge [sflag:s22], s20  }
0x9f: {  	s4 =	ssub.s32 $0x0, s20;
	[sflag:s22] =	ssyncset.done $0x0  }
0xa0: {  	[sflag:s22] =	ssyncadd.s32 s4;
	_ =	sdelay $0x1  }
0xa1: {  	s23 =	simm.s32 $0x1B8B  }
0xa2: {  	_ =	swait.ge [sflag:s23], $0x1  }
0xa3: {  	[sflag:s23] =	ssyncset.done $0x0  }
0xa4: {  	s25 =	simm.s32 $0x1B8E;
	s24 =	sld [smem:$0x3FFE];
	[sflag:s23] =	ssyncadd.s32 $0xFFFFFFFF  }
0xa5: {  	s26 =	simm.s32 $execute0_lowered;
	[smem:$0x3FD2] =	sst s25  }
0xa6: {  	s5 =	sshll.u32 s26, $0x1;
	_ =	strace $0x80000046;
	[dreg:$0x1] =	wrdreg $0xFFFFFFFF  }
0xa7: {  	s28 =	simm.s32 $_size_execute0_lowered;
	s3 =	sadd.s32 s3, s5;
	[dreg:$0x0] =	wrdreg $0x0  }
0xa8: {  	s5 =	sshll.u32 s28, $0x1;
	[dreg:$0x2] =	wrdreg s3  }
0xa9: {  	[dreg:$0x3] =	wrdreg s5  }
0xaa: {  	[dreg:$0x4] =	wrdreg $0xC0  }
0xab: {  	_ =	task [dreg:s7], $0x5FFFF  }
0xac: {  	[dreg:$0x1] =	wrdreg $0xFFFFFFFF  }
0xad: {  	[dreg:$0x0] =	wrdreg $0x60  }
0xae: {  	[dreg:$0x2] =	wrdreg s2  }
0xaf: {  	[dreg:$0x3] =	wrdreg s24  }
0xb0: {  	[dreg:$0x4] =	wrdreg $0x9  }
0xb1: {  	_ =	task.clear_ibuf [dreg:s7], $0x5FFFF;
	_ =	strace $0x90000046  }
0xb2: {  	s29 =	simm.s32 $0x9;
	_ =	strace $0x80000048  }
0xb3: {  	_ =	swait.ge [sflag:s29], $0x1  }
0xb4: {  	[sflag:s29] =	ssyncadd.s32 $0xFFFFFFFF  }
0xb5: {  	_ =	strace $0x90000048  }
0xb6: {  	_ =	sfence  }
0xb7: {  	s30 =	sld [smem:$0x0];
	_ =	sdelay $0x2  }
0xb8: {  	s31 =	sshll.u32 s1, $0xD;
	s1 =	sshrl.u32 s1, $0x2  }
0xb9: {  	s3 =	sand.u32 $0x4000, s31;
	s1 =	sadd.s32 s1, s30  }
0xba: {  	s0 =	sor.u32 s3, s0;
	s1 =	sshll.u32 s1, $0x11  }
0xbb: {  	s0 =	sor.u32 s1, s0  }
0xbc: {  	s0 =	sadd.s32 $0x8F2B, s0  }
0xbd: {  	[sflag:s0] =	ssyncadd.remote.s32 $0x1  }
0xbe: {  	_ =	sfence.sel $0xFFFF  }
0xbf: {  	[dreg:$0x0] =	wrdreg $0xFFFFFFFF;
	(pc) =	sbr.abs _section_cstart, $3  }
0xc0: {  	[dreg:$0x1] =	wrdreg $0xFFFFFFFF  }
0xc1: {  	_ =	task.clear_ibuf [dreg:s7], $0x2FFFF;
	_ =	strace $0x9FFFFFFF  }
0xc2: {  	(tm) =	ssettm $0x7FFFFFFF  }
0xc3: {  	_ =	shalt  }
tec
execute0_lowered:
.L_overlay_start_1:
0x0: {  	(tag) =	ssettag $0x1  }
0x1: {  	s4 =	rddreg [dreg:$0x0]  }
0x2: {  	s5 =	rddreg [dreg:$0x1]  }
0x3: {  	s0 =	rddreg [dreg:$0x2]  }
0x4: {  	s3 =	srdreg.scid;
	s2 =	simm.s32 $0x0;
	s1 =	stileid.u32  }
0x5: {  	s10 =	simm.s32 $0x4;
	s11 =	simm.s32 $0x40;
	s12 =	simm.s32 $0x80  }
0x6: {  	s13 =	simm.s32 $0x4200;
	s14 =	simm.s32 $0x100;
	s15 =	simm.s32 $0x8200  }
0x7: {  	s16 =	simm.s32 $0x2200;
	s17 =	simm.s32 $0xC0;
	s18 =	simm.s32 $0x6200  }
0x8: {  	s19 =	simm.s32 $0x140;
	s20 =	simm.s32 $0xA200;
	s21 =	simm.s32 $0x1  }
0x9: {  	s22 =	simm.s32 $0xC200;
	s23 =	simm.s32 $0x2;
	s24 =	simm.s32 $0xE200  }
0xa: {  	s25 =	simm.s32 $0x3;
	s26 =	simm.s32 $0x0;
	s6 =	sand.u32 $0x1, s3  }
0xb: {  	[smem:$0x7FF] =	sst s2;
	s30 =	sshll.u32 s1, $0x8;
	s7 =	sshll.u32 s6, $0x7  }
0xc: {  	s3 =	sadd.s32 $0xA00, s5;
	s6 =	ssub.s32 $0x2, s6;
	s7 =	sor.u32 s7, s30  }
0xd: {  	_ =	strace $0x80000047;
	s31 =	sshrl.u32 s6, $0x1;
	s8 =	sshll.u32 s7, $0x4  }
0xe: {  	s7 =	sshrl.u32 s7, $0x1;
	s9 =	ssub.s32 s6, s31;
	s8 =	sadd.s32 s8, s5  }
0xf: {  	s4 =	sadd.s32 s4, s7;
	s7 =	smax.u32 s9, $0x1;
	s9 =	simm.s32 $0x4000  }
0x10: {  	s5 =	sadd.s32 $0xC600, s8;
	s6 =	sadd.s32 $0xCA00, s8;
	s8 =	simm.s32 $0x200  }
.LBB2_1:
0x11: {  	[tilespmem:s2], [sflag:$0x4] =	stream.strided.gather [hbm4b:s4+s8], $0x0, s9, s8, $0x38;
	[tilespmem:$0x10200] =	vst v63  }
0x12: {  	_ = 	snop  }
0x13: {  	[tilespmem:s2], [sflag:$0x4] =	stream.linear.gather [hbm4b:s4+s2], $0x180, $0x38;
	[tilespmem:$0x10200] =	vst v63  }
0x14: {  	_ =	swait.ge [sflag:s10], $0x180  }
0x15: {  	[sflag:s10] =	ssyncset.done $0x0  }
0x16: {  	[sflag:s10] =	ssyncadd.s32 $0xFFFFFE80  }
0x17: {  	[tilespmem:s8], [sflag:$0x1] =	stream.indirect.gather [hbm4b:s3+s11], $0x80, s2, s11, $0xb8;
	[tilespmem:$0x10200] =	vst v63  }
0x18: {  	_ = 	snop  }
0x19: {  	[tilespmem:s13], [sflag:$0x1] =	stream.indirect.gather [hbm4b:s3+s11], $0x80, s12, s11, $0xb8;
	[tilespmem:$0x10200] =	vst v63  }
0x1a: {  	_ = 	snop  }
0x1b: {  	[tilespmem:s15], [sflag:$0x1] =	stream.indirect.gather [hbm4b:s3+s11], $0x80, s14, s11, $0xb8;
	[tilespmem:$0x10200] =	vst v63  }
0x1c: {  	_ = 	snop  }
0x1d: {  	[tilespmem:s16], [sflag:$0x2] =	stream.indirect.gather [hbm4b:s3+s11], $0x80, s11, s11, $0xb8;
	[tilespmem:$0x10200] =	vst v63  }
0x1e: {  	_ = 	snop  }
0x1f: {  	[tilespmem:s18], [sflag:$0x2] =	stream.indirect.gather [hbm4b:s3+s11], $0x80, s17, s11, $0xb8;
	[tilespmem:$0x10200] =	vst v63  }
0x20: {  	_ = 	snop  }
0x21: {  	[tilespmem:s20], [sflag:$0x2] =	stream.indirect.gather [hbm4b:s3+s11], $0x80, s19, s11, $0xb8;
	[tilespmem:$0x10200] =	vst v63  }
0x22: {  	_ =	swait.ge [sflag:s21], $0x2000  }
0x23: {  	[sflag:s21] =	ssyncset.done $0x0  }
0x24: {  	[sflag:s21] =	ssyncadd.s32 $0xFFFFE000  }
0x25: {  	_ =	swait.ge [sflag:s21], $0x2000  }
0x26: {  	[sflag:s21] =	ssyncset.done $0x0  }
0x27: {  	[sflag:s21] =	ssyncadd.s32 $0xFFFFE000  }
0x28: {  	_ =	swait.ge [sflag:s21], $0x2000  }
0x29: {  	[sflag:s21] =	ssyncset.done $0x0  }
0x2a: {  	s28 =	simm.s32 $0x0;
	[sflag:s21] =	ssyncadd.s32 $0xFFFFE000  }
0x2b: {  	v0 =	vld [tilespmem:s28+$0x8220]  }
0x2c: {  	v1 =	vld [tilespmem:s28+$0x822E]  }
0x2d: {  	v2 =	vld [tilespmem:s28+$0x82A0]  }
0x2e: {  	v7 =	vld [tilespmem:s28+$0x82AE]  }
0x2f: {  	v8 =	vld [tilespmem:s28+$0x8320]  }
0x30: {  	v9 =	vld [tilespmem:s28+$0x832E]  }
0x31: {  	v11 =	vld [tilespmem:s28+$0x220]  }
0x32: {  	v12 =	vld [tilespmem:s28+$0x4220]  }
0x33: {  	v13 =	vld [tilespmem:s28+$0x22E]  }
0x34: {  	v14 =	vld [tilespmem:s28+$0x422E]  }
0x35: {  	v15 =	vld [tilespmem:s28+$0x2A0]  }
0x36: {  	v18 =	vld [tilespmem:s28+$0x42A0]  }
0x37: {  	v21 =	vld [tilespmem:s28+$0x2AE]  }
0x38: {  	v22 =	vld [tilespmem:s28+$0x42AE]  }
0x39: {  	v6 =	vld [tilespmem:s28+$0x320];
	v5 =	vmul.f32 $2.731494020e-04, v0;
	v4 =	vmul.f32 $2.731494020e-04, v1  }
0x3a: {  	v10 =	vld [tilespmem:s28+$0x4320];
	v3 =	vmul.f32 $2.731494020e-04, v2;
	v2 =	vmul.f32 $2.731494020e-04, v7  }
0x3b: {  	v1 =	vmul.f32 $2.731494020e-04, v8;
	v7 =	vld [tilespmem:s28+$0x32E];
	v0 =	vmul.f32 $2.731494020e-04, v9  }
0x3c: {  	v17 =	vmul.f32 $9.833378790e-01, v11;
	v20 =	vmul.f32 $1.638896390e-02, v12;
	v12 =	vld [tilespmem:s28+$0x432E]  }
0x3d: {  	v16 =	vmul.f32 $9.833378790e-01, v13;
	v19 =	vmul.f32 $1.638896390e-02, v14;
	v11 =	vld [tilespmem:s28+$0x3A0]  }
0x3e: {  	v15 =	vmul.f32 $9.833378790e-01, v15;
	v9 =	vld [tilespmem:s28+$0x43A0];
	v13 =	vmul.f32 $9.833378790e-01, v21  }
0x3f: {  	s29 =	simm.s32 $0x800;
	v18 =	vmul.f32 $1.638896390e-02, v18;
	v14 =	vmul.f32 $1.638896390e-02, v22;
	v8 =	vld [tilespmem:s28+$0x3AE]  }
.LBB2_2:
0x40: {  	p0 =	sne.s32 s29, $0x7800  }
0x41: {  	v17 =	vadd.f32 v20, v17;
	v6 =	vmul.f32 $9.833378790e-01, v6;
	v10 =	vmul.f32 $1.638896390e-02, v10;
	v20 =	vld [tilespmem:s28+$0x43AE]  }
0x42: {  	v16 =	vadd.f32 v19, v16;
	v7 =	vmul.f32 $9.833378790e-01, v7;
	v12 =	vmul.f32 $1.638896390e-02, v12;
	v19 =	vld [tilespmem:s28+$0x83A0]  }
0x43: {  	v15 =	vadd.f32 v18, v15;
	v5 =	vadd.f32 v5, v17;
	v11 =	vmul.f32 $9.833378790e-01, v11;
	v17 =	vld [tilespmem:s28+$0x83AE]  }
0x44: {  	v13 =	vadd.f32 v14, v13;
	v4 =	vadd.f32 v4, v16;
	v18 =	vld [tilespmem:s28+$0x200];
	v9 =	vmul.f32 $1.638896390e-02, v9  }
0x45: {  	v3 =	vadd.f32 v3, v15;
	v14 =	vld [tilespmem:s28+$0x4200];
	[tilespmem:s28+$0xC220] =	vst v5;
	v5 =	vadd.f32 v10, v6;
	v6 =	vmul.f32 $9.833378790e-01, v8  }
0x46: {  	v2 =	vadd.f32 v2, v13;
	v8 =	vld [tilespmem:s28+$0x210];
	[tilespmem:s28+$0xC22E] =	vst v4;
	v4 =	vadd.f32 v12, v7;
	v7 =	vmul.f32 $1.638896390e-02, v20  }
0x47: {  	v10 =	vld [tilespmem:s28+$0x4210];
	[tilespmem:s28+$0xC2A0] =	vst v3;
	v1 =	vadd.f32 v1, v5;
	v3 =	vadd.f32 v9, v11;
	v5 =	vmul.f32 $2.731494020e-04, v19  }
0x48: {  	v9 =	vld [tilespmem:s28+$0x280];
	[tilespmem:s28+$0xC2AE] =	vst v2;
	v0 =	vadd.f32 v0, v4;
	v2 =	vadd.f32 v7, v6;
	v4 =	vmul.f32 $2.731494020e-04, v17  }
0x49: {  	v6 =	vmul.f32 $9.833378790e-01, v18;
	v7 =	vld [tilespmem:s28+$0x4280];
	[tilespmem:s28+$0xC320] =	vst v1;
	v1 =	vadd.f32 v5, v3  }
0x4a: {  	v3 =	vmul.f32 $1.638896390e-02, v14;
	v5 =	vld [tilespmem:s28+$0x290];
	[tilespmem:s28+$0xC32E] =	vst v0;
	v0 =	vadd.f32 v4, v2  }
0x4b: {  	v2 =	vmul.f32 $9.833378790e-01, v8;
	v4 =	vld [tilespmem:s28+$0x4290];
	[tilespmem:s28+$0xC3A0] =	vst v1  }
0x4c: {  	v1 =	vadd.f32 v3, v6;
	v3 =	vmul.f32 $1.638896390e-02, v10;
	v6 =	vld [tilespmem:s28+$0x300];
	[tilespmem:s28+$0xC3AE] =	vst v0  }
0x4d: {  	v0 =	vmul.f32 $9.833378790e-01, v9;
	v8 =	vld [tilespmem:s28+$0x4300]  }
0x4e: {  	v2 =	vadd.f32 v3, v2;
	v3 =	vmul.f32 $1.638896390e-02, v7;
	v7 =	vld [tilespmem:s28+$0x310]  }
0x4f: {  	v5 =	vmul.f32 $9.833378790e-01, v5;
	v9 =	vld [tilespmem:s28+$0x4310]  }
0x50: {  	v0 =	vadd.f32 v3, v0;
	v3 =	vmul.f32 $1.638896390e-02, v4;
	v4 =	vld [tilespmem:s28+$0x380]  }
0x51: {  	v6 =	vmul.f32 $9.833378790e-01, v6;
	v10 =	vld [tilespmem:s28+$0x4380]  }
0x52: {  	v3 =	vadd.f32 v3, v5;
	v5 =	vmul.f32 $1.638896390e-02, v8;
	v8 =	vld [tilespmem:s28+$0x390]  }
0x53: {  	v7 =	vmul.f32 $9.833378790e-01, v7;
	v11 =	vld [tilespmem:s28+$0x4390]  }
0x54: {  	v12 =	vld [tilespmem:s28+$0x8200];
	v5 =	vadd.f32 v5, v6;
	v6 =	vmul.f32 $1.638896390e-02, v9  }
0x55: {  	v9 =	vld [tilespmem:s28+$0x8210];
	v4 =	vmul.f32 $9.833378790e-01, v4  }
0x56: {  	v13 =	vld [tilespmem:s28+$0x8280];
	v6 =	vadd.f32 v6, v7;
	v7 =	vmul.f32 $1.638896390e-02, v10  }
0x57: {  	v10 =	vld [tilespmem:s28+$0x8290];
	v8 =	vmul.f32 $9.833378790e-01, v8  }
0x58: {  	v14 =	vld [tilespmem:s28+$0x8300];
	v4 =	vadd.f32 v7, v4;
	v7 =	vmul.f32 $1.638896390e-02, v11  }
0x59: {  	v11 =	vmul.f32 $2.731494020e-04, v12;
	v12 =	vld [tilespmem:s28+$0x8310]  }
0x5a: {  	v9 =	vmul.f32 $2.731494020e-04, v9;
	v15 =	vld [tilespmem:s28+$0x8380];
	v7 =	vadd.f32 v7, v8  }
0x5b: {  	s30 =	sshra.s32 s29, $0x2;
	v1 =	vadd.f32 v11, v1;
	v8 =	vmul.f32 $2.731494020e-04, v13;
	v11 =	vld [tilespmem:s28+$0x8390]  }
0x5c: {  	v13 =	vld [tilespmem:s30+$0x8220];
	v2 =	vadd.f32 v9, v2;
	v9 =	vmul.f32 $2.731494020e-04, v10  }
0x5d: {  	v10 =	vld [tilespmem:s30+$0x822E];
	[tilespmem:s28+$0xC200] =	vst v1;
	v0 =	vadd.f32 v8, v0;
	v1 =	vmul.f32 $2.731494020e-04, v14  }
0x5e: {  	v8 =	vld [tilespmem:s30+$0x82A0];
	[tilespmem:s28+$0xC210] =	vst v2;
	v2 =	vadd.f32 v9, v3;
	v3 =	vmul.f32 $2.731494020e-04, v12  }
0x5f: {  	v9 =	vld [tilespmem:s30+$0x82AE];
	[tilespmem:s28+$0xC280] =	vst v0;
	v0 =	vadd.f32 v1, v5;
	v1 =	vmul.f32 $2.731494020e-04, v15  }
0x60: {  	v12 =	vld [tilespmem:s30+$0x8320];
	[tilespmem:s28+$0xC290] =	vst v2;
	v2 =	vadd.f32 v3, v6;
	v3 =	vmul.f32 $2.731494020e-04, v11  }
0x61: {  	v11 =	vld [tilespmem:s30+$0x832E];
	[tilespmem:s28+$0xC300] =	vst v0;
	v0 =	vadd.f32 v1, v4  }
0x62: {  	v14 =	vld [tilespmem:s30+$0x220];
	[tilespmem:s28+$0xC310] =	vst v2;
	v1 =	vadd.f32 v3, v7  }
0x63: {  	v15 =	vld [tilespmem:s30+$0x4220];
	[tilespmem:s28+$0xC380] =	vst v0  }
0x64: {  	v16 =	vld [tilespmem:s30+$0x22E];
	[tilespmem:s28+$0xC390] =	vst v1;
	s28 =	smov.u32 s30  }
0x65: {  	v18 =	vld [tilespmem:s28+$0x422E]  }
0x66: {  	v21 =	vld [tilespmem:s28+$0x2A0]  }
0x67: {  	v22 =	vld [tilespmem:s28+$0x42A0]  }
0x68: {  	v23 =	vld [tilespmem:s28+$0x2AE]  }
0x69: {  	v24 =	vld [tilespmem:s28+$0x42AE]  }
0x6a: {  	v5 =	vmul.f32 $2.731494020e-04, v13;
	v4 =	vmul.f32 $2.731494020e-04, v10;
	v6 =	vld [tilespmem:s28+$0x320]  }
0x6b: {  	v3 =	vmul.f32 $2.731494020e-04, v8;
	v2 =	vmul.f32 $2.731494020e-04, v9;
	v10 =	vld [tilespmem:s28+$0x4320]  }
.Ltmp0:
0x6c: {  	s29 =	sadd.s32 $0x800, s29;
	v1 =	vmul.f32 $2.731494020e-04, v12;
	v0 =	vmul.f32 $2.731494020e-04, v11;
	v7 =	vld [tilespmem:s28+$0x32E];
	(pc) =	sbr.rel @p0 .LBB2_2-.Ltmp0, $4  }
0x6d: {  	v17 =	vmul.f32 $9.833378790e-01, v14;
	v20 =	vmul.f32 $1.638896390e-02, v15;
	v12 =	vld [tilespmem:s28+$0x432E]  }
0x6e: {  	v16 =	vmul.f32 $9.833378790e-01, v16;
	v19 =	vmul.f32 $1.638896390e-02, v18;
	v11 =	vld [tilespmem:s28+$0x3A0]  }
0x6f: {  	v15 =	vmul.f32 $9.833378790e-01, v21;
	v18 =	vmul.f32 $1.638896390e-02, v22;
	v9 =	vld [tilespmem:s28+$0x43A0]  }
0x70: {  	v13 =	vmul.f32 $9.833378790e-01, v23;
	v14 =	vmul.f32 $1.638896390e-02, v24;
	v8 =	vld [tilespmem:s28+$0x3AE]  }
0x71: {  	v21 =	vld [tilespmem:s28+$0x43AE]  }
0x72: {  	v17 =	vadd.f32 v20, v17;
	v20 =	vld [tilespmem:s28+$0x83A0]  }
0x73: {  	v22 =	vld [tilespmem:s28+$0x83AE]  }
0x74: {  	v16 =	vadd.f32 v19, v16;
	v19 =	vld [tilespmem:s28+$0x4200]  }
0x75: {  	v15 =	vadd.f32 v18, v15;
	v13 =	vadd.f32 v14, v13;
	v14 =	vld [tilespmem:s28+$0x4390]  }
0x76: {  	v5 =	vadd.f32 v5, v17;
	v17 =	vld [tilespmem:s28+$0x200]  }
0x77: {  	v4 =	vadd.f32 v4, v16;
	v3 =	vadd.f32 v3, v15;
	v16 =	vld [tilespmem:s28+$0x8200]  }
0x78: {  	[tilespmem:s28+$0xC220] =	vst v5;
	v5 =	vmul.f32 $9.833378790e-01, v6;
	v6 =	vld [tilespmem:s28+$0x210]  }
0x79: {  	v10 =	vmul.f32 $1.638896390e-02, v10;
	v2 =	vadd.f32 v2, v13;
	[tilespmem:s28+$0xC2A0] =	vst v3;
	v3 =	vmul.f32 $9.833378790e-01, v11;
	v11 =	vld [tilespmem:s28+$0x4380]  }
0x7a: {  	v9 =	vmul.f32 $1.638896390e-02, v9;
	[tilespmem:s28+$0xC22E] =	vst v4;
	v4 =	vmul.f32 $9.833378790e-01, v7;
	v7 =	vld [tilespmem:s28+$0x4210]  }
0x7b: {  	v12 =	vmul.f32 $1.638896390e-02, v12;
	[tilespmem:s28+$0xC2AE] =	vst v2;
	v2 =	vmul.f32 $9.833378790e-01, v8;
	v8 =	vld [tilespmem:s28+$0x4280];
	v5 =	vadd.f32 v10, v5  }
0x7c: {  	v10 =	vld [tilespmem:s28+$0x280];
	v3 =	vadd.f32 v9, v3;
	v9 =	vmul.f32 $2.731494020e-04, v20  }
0x7d: {  	v4 =	vadd.f32 v12, v4;
	v12 =	vld [tilespmem:s28+$0x390];
	v1 =	vadd.f32 v1, v5;
	v5 =	vmul.f32 $1.638896390e-02, v21  }
0x7e: {  	v13 =	vmul.f32 $9.833378790e-01, v17;
	v17 =	vld [tilespmem:s28+$0x8210];
	v3 =	vadd.f32 v9, v3  }
0x7f: {  	v0 =	vadd.f32 v0, v4;
	v4 =	vmul.f32 $2.731494020e-04, v22;
	[tilespmem:s28+$0xC320] =	vst v1;
	v1 =	vld [tilespmem:s28+$0x290];
	v2 =	vadd.f32 v5, v2  }
0x80: {  	[tilespmem:s28+$0xC3A0] =	vst v3;
	v3 =	vld [tilespmem:s28+$0x300]  }
0x81: {  	[tilespmem:s28+$0xC32E] =	vst v0;
	v0 =	vld [tilespmem:s28+$0x4290];
	v2 =	vadd.f32 v4, v2  }
0x82: {  	v4 =	vld [tilespmem:s28+$0x310]  }
0x83: {  	[tilespmem:s28+$0xC3AE] =	vst v2;
	v2 =	vld [tilespmem:s28+$0x4300]  }
0x84: {  	v15 =	vmul.f32 $1.638896390e-02, v19;
	v6 =	vmul.f32 $9.833378790e-01, v6;
	v5 =	vld [tilespmem:s28+$0x4310]  }
0x85: {  	v9 =	vld [tilespmem:s28+$0x380];
	v7 =	vmul.f32 $1.638896390e-02, v7;
	v8 =	vmul.f32 $1.638896390e-02, v8  }
0x86: {  	v13 =	vadd.f32 v15, v13;
	v15 =	vld [tilespmem:s28+$0x8280];
	v10 =	vmul.f32 $9.833378790e-01, v10;
	v1 =	vmul.f32 $9.833378790e-01, v1  }
0x87: {  	v6 =	vadd.f32 v7, v6;
	v7 =	vld [tilespmem:s28+$0x8290];
	v3 =	vmul.f32 $9.833378790e-01, v3;
	v0 =	vmul.f32 $1.638896390e-02, v0  }
0x88: {  	v8 =	vadd.f32 v8, v10;
	v10 =	vld [tilespmem:s28+$0x8300];
	v4 =	vmul.f32 $9.833378790e-01, v4;
	v2 =	vmul.f32 $1.638896390e-02, v2  }
0x89: {  	v0 =	vadd.f32 v0, v1;
	v1 =	vmul.f32 $1.638896390e-02, v5;
	v5 =	vmul.f32 $2.731494020e-04, v16;
	v16 =	vld [tilespmem:s28+$0x8310]  }
0x8a: {  	v2 =	vadd.f32 v2, v3;
	v3 =	vmul.f32 $9.833378790e-01, v9;
	v9 =	vmul.f32 $2.731494020e-04, v17;
	v17 =	vld [tilespmem:s28+$0x8380]  }
0x8b: {  	v1 =	vadd.f32 v1, v4;
	v4 =	vadd.f32 v5, v13;
	v5 =	vmul.f32 $2.731494020e-04, v15;
	v13 =	vld [tilespmem:s28+$0x8390]  }
0x8c: {  	v11 =	vmul.f32 $1.638896390e-02, v11;
	v7 =	vmul.f32 $2.731494020e-04, v7;
	v6 =	vadd.f32 v9, v6  }
0x8d: {  	[tilespmem:s28+$0xC200] =	vst v4;
	v4 =	vadd.f32 v5, v8;
	v5 =	vmul.f32 $2.731494020e-04, v10;
	v8 =	vmul.f32 $1.638896390e-02, v14  }
0x8e: {  	v0 =	vadd.f32 v7, v0;
	v9 =	vmul.f32 $9.833378790e-01, v12;
	[tilespmem:s28+$0xC210] =	vst v6;
	v6 =	vmul.f32 $2.731494020e-04, v16  }
0x8f: {  	v3 =	vadd.f32 v11, v3;
	[tilespmem:s28+$0xC280] =	vst v4;
	v2 =	vadd.f32 v5, v2;
	v4 =	vmul.f32 $2.731494020e-04, v17  }
0x90: {  	[tilespmem:s28+$0xC290] =	vst v0;
	v5 =	vadd.f32 v8, v9;
	v0 =	vadd.f32 v6, v1;
	v1 =	vmul.f32 $2.731494020e-04, v13  }
0x91: {  	[tilespmem:s28+$0xC300] =	vst v2;
	v2 =	vadd.f32 v4, v3  }
0x92: {  	[tilespmem:s28+$0xC310] =	vst v0;
	v0 =	vadd.f32 v1, v5  }
0x93: {  	[tilespmem:s28+$0xC380] =	vst v2  }
0x94: {  	[tilespmem:s28+$0xC390] =	vst v0;
	s28 =	simm.s32 $0x0  }
0x95: {  	[hbm4b:s5+s28] =	stream.linear.scatter [tilespmem:s22], [sflag:$0x3], $0x2000, $0x38;
	[tilespmem:$0x10200] =	vst v63  }
0x96: {  	_ =	swait.ge [sflag:s23], $0x2000  }
0x97: {  	[sflag:s23] =	ssyncset.done $0x0  }
0x98: {  	[sflag:s23] =	ssyncadd.s32 $0xFFFFE000  }
0x99: {  	_ =	swait.ge [sflag:s23], $0x2000  }
0x9a: {  	[sflag:s23] =	ssyncset.done $0x0  }
0x9b: {  	[sflag:s23] =	ssyncadd.s32 $0xFFFFE000  }
0x9c: {  	_ =	swait.ge [sflag:s23], $0x2000  }
0x9d: {  	[sflag:s23] =	ssyncset.done $0x0  }
0x9e: {  	s28 =	simm.s32 $0x0;
	[sflag:s23] =	ssyncadd.s32 $0xFFFFE000  }
0x9f: {  	v0 =	vld [tilespmem:s28+$0xA220]  }
0xa0: {  	v1 =	vld [tilespmem:s28+$0xA22E]  }
0xa1: {  	v2 =	vld [tilespmem:s28+$0xA2A0]  }
0xa2: {  	v7 =	vld [tilespmem:s28+$0xA2AE]  }
0xa3: {  	v8 =	vld [tilespmem:s28+$0xA320]  }
0xa4: {  	v9 =	vld [tilespmem:s28+$0xA32E]  }
0xa5: {  	v11 =	vld [tilespmem:s28+$0x2220]  }
0xa6: {  	v12 =	vld [tilespmem:s28+$0x6220]  }
0xa7: {  	v13 =	vld [tilespmem:s28+$0x222E]  }
0xa8: {  	v14 =	vld [tilespmem:s28+$0x622E]  }
0xa9: {  	v15 =	vld [tilespmem:s28+$0x22A0]  }
0xaa: {  	v18 =	vld [tilespmem:s28+$0x62A0]  }
0xab: {  	v21 =	vld [tilespmem:s28+$0x22AE]  }
0xac: {  	v22 =	vld [tilespmem:s28+$0x62AE]  }
0xad: {  	v6 =	vld [tilespmem:s28+$0x2320];
	v5 =	vmul.f32 $2.731494020e-04, v0;
	v4 =	vmul.f32 $2.731494020e-04, v1  }
0xae: {  	v10 =	vld [tilespmem:s28+$0x6320];
	v3 =	vmul.f32 $2.731494020e-04, v2;
	v2 =	vmul.f32 $2.731494020e-04, v7  }
0xaf: {  	v1 =	vmul.f32 $2.731494020e-04, v8;
	v7 =	vld [tilespmem:s28+$0x232E];
	v0 =	vmul.f32 $2.731494020e-04, v9  }
0xb0: {  	v17 =	vmul.f32 $9.833378790e-01, v11;
	v20 =	vmul.f32 $1.638896390e-02, v12;
	v12 =	vld [tilespmem:s28+$0x632E]  }
0xb1: {  	v16 =	vmul.f32 $9.833378790e-01, v13;
	v19 =	vmul.f32 $1.638896390e-02, v14;
	v11 =	vld [tilespmem:s28+$0x23A0]  }
0xb2: {  	v15 =	vmul.f32 $9.833378790e-01, v15;
	v9 =	vld [tilespmem:s28+$0x63A0];
	v13 =	vmul.f32 $9.833378790e-01, v21  }
0xb3: {  	s29 =	simm.s32 $0x800;
	v18 =	vmul.f32 $1.638896390e-02, v18;
	v14 =	vmul.f32 $1.638896390e-02, v22;
	v8 =	vld [tilespmem:s28+$0x23AE]  }
.LBB2_4:
0xb4: {  	p0 =	sne.s32 s29, $0x7800  }
0xb5: {  	v17 =	vadd.f32 v20, v17;
	v6 =	vmul.f32 $9.833378790e-01, v6;
	v10 =	vmul.f32 $1.638896390e-02, v10;
	v20 =	vld [tilespmem:s28+$0x63AE]  }
0xb6: {  	v16 =	vadd.f32 v19, v16;
	v7 =	vmul.f32 $9.833378790e-01, v7;
	v12 =	vmul.f32 $1.638896390e-02, v12;
	v19 =	vld [tilespmem:s28+$0xA3A0]  }
0xb7: {  	v15 =	vadd.f32 v18, v15;
	v5 =	vadd.f32 v5, v17;
	v11 =	vmul.f32 $9.833378790e-01, v11;
	v17 =	vld [tilespmem:s28+$0xA3AE]  }
0xb8: {  	v13 =	vadd.f32 v14, v13;
	v4 =	vadd.f32 v4, v16;
	v18 =	vld [tilespmem:s28+$0x2200];
	v9 =	vmul.f32 $1.638896390e-02, v9  }
0xb9: {  	v3 =	vadd.f32 v3, v15;
	v14 =	vld [tilespmem:s28+$0x6200];
	[tilespmem:s28+$0xE220] =	vst v5;
	v5 =	vadd.f32 v10, v6;
	v6 =	vmul.f32 $9.833378790e-01, v8  }
0xba: {  	v2 =	vadd.f32 v2, v13;
	v8 =	vld [tilespmem:s28+$0x2210];
	[tilespmem:s28+$0xE22E] =	vst v4;
	v4 =	vadd.f32 v12, v7;
	v7 =	vmul.f32 $1.638896390e-02, v20  }
0xbb: {  	v10 =	vld [tilespmem:s28+$0x6210];
	[tilespmem:s28+$0xE2A0] =	vst v3;
	v1 =	vadd.f32 v1, v5;
	v3 =	vadd.f32 v9, v11;
	v5 =	vmul.f32 $2.731494020e-04, v19  }
0xbc: {  	v9 =	vld [tilespmem:s28+$0x2280];
	[tilespmem:s28+$0xE2AE] =	vst v2;
	v0 =	vadd.f32 v0, v4;
	v2 =	vadd.f32 v7, v6;
	v4 =	vmul.f32 $2.731494020e-04, v17  }
0xbd: {  	v6 =	vmul.f32 $9.833378790e-01, v18;
	v7 =	vld [tilespmem:s28+$0x6280];
	[tilespmem:s28+$0xE320] =	vst v1;
	v1 =	vadd.f32 v5, v3  }
0xbe: {  	v3 =	vmul.f32 $1.638896390e-02, v14;
	v5 =	vld [tilespmem:s28+$0x2290];
	[tilespmem:s28+$0xE32E] =	vst v0;
	v0 =	vadd.f32 v4, v2  }
0xbf: {  	v2 =	vmul.f32 $9.833378790e-01, v8;
	v4 =	vld [tilespmem:s28+$0x6290];
	[tilespmem:s28+$0xE3A0] =	vst v1  }
0xc0: {  	v1 =	vadd.f32 v3, v6;
	v3 =	vmul.f32 $1.638896390e-02, v10;
	v6 =	vld [tilespmem:s28+$0x2300];
	[tilespmem:s28+$0xE3AE] =	vst v0  }
0xc1: {  	v0 =	vmul.f32 $9.833378790e-01, v9;
	v8 =	vld [tilespmem:s28+$0x6300]  }
0xc2: {  	v2 =	vadd.f32 v3, v2;
	v3 =	vmul.f32 $1.638896390e-02, v7;
	v7 =	vld [tilespmem:s28+$0x2310]  }
0xc3: {  	v5 =	vmul.f32 $9.833378790e-01, v5;
	v9 =	vld [tilespmem:s28+$0x6310]  }
0xc4: {  	v0 =	vadd.f32 v3, v0;
	v3 =	vmul.f32 $1.638896390e-02, v4;
	v4 =	vld [tilespmem:s28+$0x2380]  }
0xc5: {  	v6 =	vmul.f32 $9.833378790e-01, v6;
	v10 =	vld [tilespmem:s28+$0x6380]  }
0xc6: {  	v3 =	vadd.f32 v3, v5;
	v5 =	vmul.f32 $1.638896390e-02, v8;
	v8 =	vld [tilespmem:s28+$0x2390]  }
0xc7: {  	v7 =	vmul.f32 $9.833378790e-01, v7;
	v11 =	vld [tilespmem:s28+$0x6390]  }
0xc8: {  	v12 =	vld [tilespmem:s28+$0xA200];
	v5 =	vadd.f32 v5, v6;
	v6 =	vmul.f32 $1.638896390e-02, v9  }
0xc9: {  	v9 =	vld [tilespmem:s28+$0xA210];
	v4 =	vmul.f32 $9.833378790e-01, v4  }
0xca: {  	v13 =	vld [tilespmem:s28+$0xA280];
	v6 =	vadd.f32 v6, v7;
	v7 =	vmul.f32 $1.638896390e-02, v10  }
0xcb: {  	v10 =	vld [tilespmem:s28+$0xA290];
	v8 =	vmul.f32 $9.833378790e-01, v8  }
0xcc: {  	v14 =	vld [tilespmem:s28+$0xA300];
	v4 =	vadd.f32 v7, v4;
	v7 =	vmul.f32 $1.638896390e-02, v11  }
0xcd: {  	v11 =	vmul.f32 $2.731494020e-04, v12;
	v12 =	vld [tilespmem:s28+$0xA310]  }
0xce: {  	v9 =	vmul.f32 $2.731494020e-04, v9;
	v15 =	vld [tilespmem:s28+$0xA380];
	v7 =	vadd.f32 v7, v8  }
0xcf: {  	s30 =	sshra.s32 s29, $0x2;
	v1 =	vadd.f32 v11, v1;
	v8 =	vmul.f32 $2.731494020e-04, v13;
	v11 =	vld [tilespmem:s28+$0xA390]  }
0xd0: {  	v13 =	vld [tilespmem:s30+$0xA220];
	v2 =	vadd.f32 v9, v2;
	v9 =	vmul.f32 $2.731494020e-04, v10  }
0xd1: {  	v10 =	vld [tilespmem:s30+$0xA22E];
	[tilespmem:s28+$0xE200] =	vst v1;
	v0 =	vadd.f32 v8, v0;
	v1 =	vmul.f32 $2.731494020e-04, v14  }
0xd2: {  	v8 =	vld [tilespmem:s30+$0xA2A0];
	[tilespmem:s28+$0xE210] =	vst v2;
	v2 =	vadd.f32 v9, v3;
	v3 =	vmul.f32 $2.731494020e-04, v12  }
0xd3: {  	v9 =	vld [tilespmem:s30+$0xA2AE];
	[tilespmem:s28+$0xE280] =	vst v0;
	v0 =	vadd.f32 v1, v5;
	v1 =	vmul.f32 $2.731494020e-04, v15  }
0xd4: {  	v12 =	vld [tilespmem:s30+$0xA320];
	[tilespmem:s28+$0xE290] =	vst v2;
	v2 =	vadd.f32 v3, v6;
	v3 =	vmul.f32 $2.731494020e-04, v11  }
0xd5: {  	v11 =	vld [tilespmem:s30+$0xA32E];
	[tilespmem:s28+$0xE300] =	vst v0;
	v0 =	vadd.f32 v1, v4  }
0xd6: {  	v14 =	vld [tilespmem:s30+$0x2220];
	[tilespmem:s28+$0xE310] =	vst v2;
	v1 =	vadd.f32 v3, v7  }
0xd7: {  	v15 =	vld [tilespmem:s30+$0x6220];
	[tilespmem:s28+$0xE380] =	vst v0  }
0xd8: {  	v16 =	vld [tilespmem:s30+$0x222E];
	[tilespmem:s28+$0xE390] =	vst v1;
	s28 =	smov.u32 s30  }
0xd9: {  	v18 =	vld [tilespmem:s28+$0x622E]  }
0xda: {  	v21 =	vld [tilespmem:s28+$0x22A0]  }
0xdb: {  	v22 =	vld [tilespmem:s28+$0x62A0]  }
0xdc: {  	v23 =	vld [tilespmem:s28+$0x22AE]  }
0xdd: {  	v24 =	vld [tilespmem:s28+$0x62AE]  }
0xde: {  	v5 =	vmul.f32 $2.731494020e-04, v13;
	v4 =	vmul.f32 $2.731494020e-04, v10;
	v6 =	vld [tilespmem:s28+$0x2320]  }
0xdf: {  	v3 =	vmul.f32 $2.731494020e-04, v8;
	v2 =	vmul.f32 $2.731494020e-04, v9;
	v10 =	vld [tilespmem:s28+$0x6320]  }
.Ltmp1:
0xe0: {  	s29 =	sadd.s32 $0x800, s29;
	v1 =	vmul.f32 $2.731494020e-04, v12;
	v0 =	vmul.f32 $2.731494020e-04, v11;
	v7 =	vld [tilespmem:s28+$0x232E];
	(pc) =	sbr.rel @p0 .LBB2_4-.Ltmp1, $4  }
0xe1: {  	v17 =	vmul.f32 $9.833378790e-01, v14;
	v20 =	vmul.f32 $1.638896390e-02, v15;
	v12 =	vld [tilespmem:s28+$0x632E]  }
0xe2: {  	v16 =	vmul.f32 $9.833378790e-01, v16;
	v19 =	vmul.f32 $1.638896390e-02, v18;
	v11 =	vld [tilespmem:s28+$0x23A0]  }
0xe3: {  	v15 =	vmul.f32 $9.833378790e-01, v21;
	v18 =	vmul.f32 $1.638896390e-02, v22;
	v9 =	vld [tilespmem:s28+$0x63A0]  }
0xe4: {  	v13 =	vmul.f32 $9.833378790e-01, v23;
	v14 =	vmul.f32 $1.638896390e-02, v24;
	v8 =	vld [tilespmem:s28+$0x23AE]  }
0xe5: {  	v21 =	vld [tilespmem:s28+$0x63AE]  }
0xe6: {  	v55 =	vld [tilespmem:s28+$0xA3A0]  }
0xe7: {  	v22 =	vld [tilespmem:s28+$0xA3AE]  }
0xe8: {  	v56 =	vld [tilespmem:s28+$0x2200]  }
0xe9: {  	v57 =	vld [tilespmem:s28+$0x6200]  }
0xea: {  	v59 =	vld [tilespmem:s28+$0x2210]  }
0xeb: {  	v61 =	vld [tilespmem:s28+$0x6210]  }
0xec: {  	v63 =	vld [tilespmem:s28+$0x2280]  }
0xed: {  	v24 =	vld [tilespmem:s28+$0x6280]  }
0xee: {  	v26 =	vld [tilespmem:s28+$0x2290]  }
0xef: {  	v17 =	vadd.f32 v20, v17;
	v31 =	vld [tilespmem:s28+$0x2310]  }
0xf0: {  	v16 =	vadd.f32 v19, v16;
	v58 =	vmul.f32 $9.833378790e-01, v6;
	v10 =	vmul.f32 $1.638896390e-02, v10;
	v32 =	vld [tilespmem:s28+$0x6310]  }
0xf1: {  	v15 =	vadd.f32 v18, v15;
	v60 =	vmul.f32 $9.833378790e-01, v7;
	v33 =	vld [tilespmem:s28+$0x2380];
	v12 =	vmul.f32 $1.638896390e-02, v12  }
0xf2: {  	v34 =	vld [tilespmem:s28+$0x6380];
	v13 =	vadd.f32 v14, v13;
	v62 =	vmul.f32 $9.833378790e-01, v11;
	v9 =	vmul.f32 $1.638896390e-02, v9  }
0xf3: {  	v39 =	vld [tilespmem:s28+$0xA200];
	v5 =	vadd.f32 v5, v17;
	v18 =	vmul.f32 $9.833378790e-01, v8;
	v23 =	vmul.f32 $1.638896390e-02, v21  }
0xf4: {  	v40 =	vld [tilespmem:s28+$0xA210];
	v4 =	vadd.f32 v4, v16;
	v25 =	vmul.f32 $2.731494020e-04, v55;
	v27 =	vmul.f32 $2.731494020e-04, v22  }
0xf5: {  	v41 =	vld [tilespmem:s28+$0xA280];
	v3 =	vadd.f32 v3, v15;
	v36 =	vmul.f32 $9.833378790e-01, v56;
	v38 =	vmul.f32 $1.638896390e-02, v57  }
0xf6: {  	v35 =	vld [tilespmem:s28+$0x2390];
	v2 =	vadd.f32 v2, v13;
	v6 =	vmul.f32 $9.833378790e-01, v59;
	v7 =	vmul.f32 $1.638896390e-02, v61  }
0xf7: {  	v37 =	vld [tilespmem:s28+$0x6390];
	[tilespmem:s28+$0xE220] =	vst v5;
	v5 =	vadd.f32 v10, v58;
	v10 =	vmul.f32 $9.833378790e-01, v63;
	v8 =	vmul.f32 $1.638896390e-02, v24  }
0xf8: {  	v52 =	vld [tilespmem:s28+$0xA390];
	[tilespmem:s28+$0xE22E] =	vst v4;
	v4 =	vadd.f32 v12, v60;
	v44 =	vmul.f32 $1.638896390e-02, v32;
	v45 =	vmul.f32 $2.731494020e-04, v39  }
0xf9: {  	v42 =	vld [tilespmem:s28+$0xA290];
	[tilespmem:s28+$0xE2A0] =	vst v3;
	v3 =	vadd.f32 v9, v62;
	v47 =	vmul.f32 $9.833378790e-01, v33;
	v48 =	vmul.f32 $2.731494020e-04, v40  }
0xfa: {  	v28 =	vld [tilespmem:s28+$0x6290];
	v51 =	vmul.f32 $2.731494020e-04, v41;
	v11 =	vmul.f32 $1.638896390e-02, v34;
	v1 =	vadd.f32 v1, v5  }
0xfb: {  	v29 =	vld [tilespmem:s28+$0x2300];
	[tilespmem:s28+$0xE2AE] =	vst v2;
	v53 =	vmul.f32 $9.833378790e-01, v35;
	v0 =	vadd.f32 v0, v4;
	v2 =	vadd.f32 v23, v18  }
0xfc: {  	v30 =	vld [tilespmem:s28+$0x6300];
	v56 =	vmul.f32 $1.638896390e-02, v37;
	v3 =	vadd.f32 v25, v3;
	v13 =	vadd.f32 v38, v36  }
0xfd: {  	v46 =	vld [tilespmem:s28+$0xA310];
	v61 =	vmul.f32 $2.731494020e-04, v52;
	v6 =	vadd.f32 v7, v6;
	v8 =	vadd.f32 v8, v10;
	[tilespmem:s28+$0xE320] =	vst v1  }
0xfe: {  	v43 =	vld [tilespmem:s28+$0xA300];
	v4 =	vmul.f32 $9.833378790e-01, v31;
	v7 =	vmul.f32 $2.731494020e-04, v42;
	[tilespmem:s28+$0xE32E] =	vst v0;
	v2 =	vadd.f32 v27, v2  }
0xff: {  	v49 =	vld [tilespmem:s28+$0xA380];
	v1 =	vmul.f32 $9.833378790e-01, v26;
	[tilespmem:s28+$0xE3A0] =	vst v3;
	v0 =	vmul.f32 $1.638896390e-02, v28;
	v50 =	vadd.f32 v45, v13  }
0x100: {  	v59 =	vadd.f32 v56, v53;
	v3 =	vmul.f32 $9.833378790e-01, v29;
	v6 =	vadd.f32 v48, v6;
	[tilespmem:s28+$0xE3AE] =	vst v2  }
0x101: {  	v54 =	vadd.f32 v51, v8;
	v2 =	vmul.f32 $1.638896390e-02, v30;
	v0 =	vadd.f32 v0, v1;
	[tilespmem:s28+$0xE200] =	vst v50  }
0x102: {  	v57 =	vmul.f32 $2.731494020e-04, v46;
	v63 =	vadd.f32 v61, v59;
	v1 =	vadd.f32 v44, v4;
	[tilespmem:s28+$0xE210] =	vst v6  }
0x103: {  	v55 =	vmul.f32 $2.731494020e-04, v43;
	[tilespmem:s28+$0xE280] =	vst v54;
	v2 =	vadd.f32 v2, v3;
	v0 =	vadd.f32 v7, v0  }
0x104: {  	v58 =	vmul.f32 $2.731494020e-04, v49;
	[tilespmem:s28+$0xE390] =	vst v63;
	v3 =	vadd.f32 v11, v47;
	v60 =	vadd.f32 v57, v1  }
0x105: {  	v2 =	vadd.f32 v55, v2;
	[tilespmem:s28+$0xE290] =	vst v0  }
0x106: {  	v62 =	vadd.f32 v58, v3;
	[tilespmem:s28+$0xE310] =	vst v60  }
0x107: {  	[tilespmem:s28+$0xE300] =	vst v2  }
0x108: {  	s26 =	sadd.s32 $0x1, s26;
	[tilespmem:s28+$0xE380] =	vst v62  }
0x109: {  	[hbm4b:s6+s2] =	stream.linear.scatter [tilespmem:s24], [sflag:$0x3], $0x2000, $0x38;
	[tilespmem:$0x10200] =	vst v63  }
0x10a: {  	p0 =	sne.s32 s26, s7;
	_ =	swait.ge [sflag:s25], $0x2000  }
.Ltmp2:
0x10b: {  	[sflag:s25] =	ssyncset.done $0x0;
	(pc) =	sbr.rel @p0 .LBB2_1-.Ltmp2, $4  }
0x10c: {  	[sflag:s25] =	ssyncadd.s32 $0xFFFFE000  }
0x10d: {  	_ =	swait.ge [sflag:s25], $0x2000  }
0x10e: {  	[sflag:s25] =	ssyncset.done $0x0  }
0x10f: {  	[sflag:s25] =	ssyncadd.s32 $0xFFFFE000  }
0x110: {  	_ =	sfence.sel $0x180000  }
0x111: {  	[bflag:$0x0] =	sbarrier.arrive $0xFFFF  }
0x112: {  	p0 =	sne.s32 s1, $0x0;
	_ =	strace $0x90000047  }
0x113: {  	s0 =	sadd.s32 @!p0 $0x100000, s0;
	[bflag:$0x2] =	sbarrier.arrive $0xFFFF  }
0x114: {  	[sflag:s0] =	ssyncadd.tile.s32 @!p0 $0x1;
	_ =	shalt  }
.Lfunc_end2:
_tile_overlayer_lowered:
.L_overlay_start_2:
0x115: {  	(tag) =	ssettag $0x2  }
0x116: {  	s0 =	rddreg [dreg:$0x0];
	s2 =	stileid.u32  }
0x117: {  	s1 =	rddreg [dreg:$0x1];
	p0 =	sne.s32 s2, $0x0  }
0x118: {  	s3 =	rddreg [dreg:$0x2];
	[bflag:$0x3] =	sbarrier.arrive $0xFFFF;
	s2 =	simm.s32 @!p0 $0x1C04  }
0x119: {  	[timem:s3], [sflag:s2] =	dma.local @!p0 [hbm:s0], s1  }
0x11a: {  	s0 =	simm.s32 @!p0 $0x4  }
0x11b: {  	_ =	swait.ge @!p0 [sflag:s0], s1  }
0x11c: {  	s1 =	ssub.s32 @!p0 $0x0, s1;
	[sflag:s0] =	ssyncset.done @!p0 $0x0  }
0x11d: {  	[sflag:s0] =	ssyncadd.s32 @!p0 s1  }
0x11e: {  	[bflag:$0x3] =	sbarrier.arrive $0xFFFF  }
0x11f: {  	_ =	shalt  }

</sc_bundles>
